<compile_context>
chip_gen: v7x
topology: tpu7x:2x2x1
jax: 0.10.2.dev20260603
libtpu: 0.0.44.dev20260713+nightly
codegen_flags: <defaults>
</compile_context>

<pallas_src>
import functools

import jax
import jax.numpy as jnp
from jax import lax
from jax.experimental import pallas as pl
from jax.experimental.pallas import tpu as pltpu
from jax.experimental.pallas import tpu_sc as plsc

B = 1024
T = 200
D = 64
BT = B * T
NC = 2
NS = 16
NW = NC * NS
B_PER_W = BT // NW
CHUNK = 64
N_CHUNKS = B_PER_W // CHUNK
NBUF = 4
LANES = 16
GROUPS = D // LANES
POS_PAD = T + CHUNK

_mesh = plsc.VectorSubcoreMesh(core_axis_name="c", subcore_axis_name="s")


@functools.partial(
    pl.kernel,
    mesh=_mesh,
    out_type=jax.ShapeDtypeStruct((BT, D), jnp.float32),
    scratch_types=[
        pltpu.VMEM((N_CHUNKS, CHUNK), jnp.int32),
        pltpu.VMEM((NBUF, CHUNK, D), jnp.float32),
        pltpu.VMEM((POS_PAD, D), jnp.float32),
    ] + [pltpu.SemaphoreType.DMA] * (2 * NBUF),
    compiler_params=pltpu.CompilerParams(use_tc_tiling_on_sc=False),
)
def _embed_sc(x_hbm, tok_hbm, pos_hbm, out_hbm, idx_v, rows_v, pos_v,
              g0, g1, g2, g3, o0, o1, o2, o3):
    gsems = (g0, g1, g2, g3)
    osems = (o0, o1, o2, o3)
    cid = lax.axis_index("c")
    sid = lax.axis_index("s")
    wid = sid * NC + cid
    base = wid * B_PER_W

    pltpu.sync_copy(x_hbm.at[wid], idx_v)
    pltpu.sync_copy(pos_hbm.at[pl.ds(0, T)], pos_v.at[pl.ds(0, T)])
    pltpu.sync_copy(pos_hbm.at[pl.ds(0, CHUNK)], pos_v.at[pl.ds(T, CHUNK)])

    def gather(ch, b):
        pltpu.async_copy(tok_hbm.at[idx_v.at[ch]], rows_v.at[b], gsems[b])

    def wait_gather(ch, b):
        pltpu.make_async_copy(
            tok_hbm.at[idx_v.at[ch]], rows_v.at[b], gsems[b]).wait()

    def put(ch, b):
        pltpu.async_copy(
            rows_v.at[b], out_hbm.at[pl.ds(base + ch * CHUNK, CHUNK)],
            osems[b])

    def wait_put(b):
        pltpu.make_async_copy(
            rows_v.at[b], out_hbm.at[pl.ds(base, CHUNK)], osems[b]).wait()

    for b in range(NBUF - 1):
        gather(b, b)

    def block_body(blk, carry):
        c0 = blk * NBUF
        for b in range(NBUF):
            ch = c0 + b
            nxt = ch + NBUF - 1
            bn = (b + NBUF - 1) % NBUF

            @pl.when(nxt < N_CHUNKS)
            def _():
                @pl.when(nxt >= NBUF)
                def _():
                    wait_put(bn)
                gather(nxt, bn)

            wait_gather(ch, b)
            p0 = lax.rem(ch * CHUNK, T)

            @plsc.parallel_loop(0, CHUNK, unroll=8)
            def _row(r):
                for g in range(GROUPS):
                    sl = pl.ds(g * LANES, LANES)
                    rows_v[b, r, sl] = rows_v[b, r, sl] + pos_v[p0 + r, sl]

            put(ch, b)
        return carry

    lax.fori_loop(0, N_CHUNKS // NBUF, block_body, 0)

    for b in range(NBUF):
        wait_put(b)


def kernel(x, token_emb, pos_emb):
    xw = x.reshape(NW, N_CHUNKS, CHUNK).astype(jnp.int32)
    out = _embed_sc(xw, token_emb, pos_emb)
    return out.reshape(B, T, D)

# --- scband reference (transcript-rebuilt; emitter-appended) ---
"""Pipeline reference for scband-embedding-layer-22419729286039 (READ-ONLY COPY).

The authoritative reference and input builder live on the scoring server;
editing this copy changes nothing except your own understanding.
"""

import jax, jax.numpy as jnp
import numpy as np

VOCAB = 1000000
D_MODEL = 64
MAX_SEQ_LEN = 2048
B = 1024
T = 200

def setup_inputs(seed: int = 0) -> dict:
    key = jax.random.key(seed)
    k1, k2, k3 = jax.random.split(key, 3)
    x = jax.random.randint(k1, (B, T), 0, VOCAB, dtype=jnp.int64 if jax.config.jax_enable_x64 else jnp.int32)
    token_emb = jax.random.normal(k2, (VOCAB, D_MODEL), dtype=jnp.float32) * 0.02
    pos_emb = jax.random.normal(k3, (MAX_SEQ_LEN, D_MODEL), dtype=jnp.float32) * 0.02
    return {"x": x, "token_emb": token_emb, "pos_emb": pos_emb}

def reference(x, token_emb, pos_emb):
    Bx, Tx = x.shape
    positions = jnp.arange(Tx)
    token_embeddings = jnp.take(token_emb, x, axis=0)          # (B, T, D)
    position_embeddings = jnp.take(pos_emb, positions, axis=0)[None, :, :]  # (1, T, D)
    return token_embeddings + position_embeddings

if __name__ == "__main__":
    import jax
    _d = setup_inputs()
    print(jax.jit(kernel)(*tuple(_d.values())))

</pallas_src>

<mosaic_0001>
#map = affine_map<(d0, d1) -> (0, 0, 0)>
#map1 = affine_map<(d0, d1) -> (0, 0)>
module attributes {stable_mosaic.version = 14 : i64} {
  func.func @_embed_sc(%arg0: i32, %arg1: i32, %arg2: memref<32x100x64xi32, #tpu.memory_space<hbm>>, %arg3: memref<1000000x64xf32, #tpu.memory_space<hbm>>, %arg4: memref<2048x64xf32, #tpu.memory_space<hbm>>, %arg5: memref<204800x64xf32, #tpu.memory_space<hbm>>, %arg6: memref<100x64xi32, #tpu.memory_space<vmem>>, %arg7: memref<4x64x64xf32, #tpu.memory_space<vmem>>, %arg8: memref<264x64xf32, #tpu.memory_space<vmem>>, %arg9: memref<!tpu.dma_semaphore, #tpu.memory_space<semaphore_mem>>, %arg10: memref<!tpu.dma_semaphore, #tpu.memory_space<semaphore_mem>>, %arg11: memref<!tpu.dma_semaphore, #tpu.memory_space<semaphore_mem>>, %arg12: memref<!tpu.dma_semaphore, #tpu.memory_space<semaphore_mem>>, %arg13: memref<!tpu.dma_semaphore, #tpu.memory_space<semaphore_mem>>, %arg14: memref<!tpu.dma_semaphore, #tpu.memory_space<semaphore_mem>>, %arg15: memref<!tpu.dma_semaphore, #tpu.memory_space<semaphore_mem>>, %arg16: memref<!tpu.dma_semaphore, #tpu.memory_space<semaphore_mem>>) attributes {dimension_semantics = [#tpu.dimension_semantics<core_parallel>, #tpu.dimension_semantics<subcore_parallel>], iteration_bounds = array<i64: 2, 16>, scalar_prefetch = 0 : i64, scratch_operands = 11 : i64, tpu.core_type = #tpu.core_type<sc_vector_subcore>, window_params = [{transform_indices = #map}, {transform_indices = #map1}, {transform_indices = #map1}, {transform_indices = #map1}]} {
    %mul3A = arith.constant 2 : i32
    %mul3A_0 = arith.muli %arg1, %mul3A : i32
    %add3A = arith.addi %mul3A_0, %arg0 : i32
    %mul3A_1 = arith.constant 6400 : i32
    %mul3A_2 = arith.muli %add3A, %mul3A_1 : i32
    "tpu.region"() ({
      %run_scoped3A = tpu.sem_alloc : memref<!tpu.dma_semaphore, #tpu.memory_space<semaphore_mem>>
      %dma_start3A_94 = arith.constant 0 : i32
      %dma_start3A_95 = arith.constant 0 : i32
      %dma_start3A_96 = tpu.memref_slice %arg2[%add3A, %dma_start3A_94, %dma_start3A_95] : memref<32x100x64xi32, #tpu.memory_space<hbm>> -> memref<1x100x64xi32, #tpu.memory_space<hbm>>
      %dma_start3A_97 = tpu.memref_squeeze %dma_start3A_96 : memref<1x100x64xi32, #tpu.memory_space<hbm>> -> memref<100x64xi32, #tpu.memory_space<hbm>>
      %dma_start3A_98 = arith.constant 0 : i32
      %dma_start3A_99 = arith.constant 0 : i32
      %dma_start3A_100 = tpu.memref_slice %arg2[%add3A, %dma_start3A_98, %dma_start3A_99] : memref<32x100x64xi32, #tpu.memory_space<hbm>> -> memref<1x100x64xi32, #tpu.memory_space<hbm>>
      %dma_start3A_101 = tpu.memref_squeeze %dma_start3A_100 : memref<1x100x64xi32, #tpu.memory_space<hbm>> -> memref<100x64xi32, #tpu.memory_space<hbm>>
      tpu.enqueue_dma source(%dma_start3A_101 : memref<100x64xi32, #tpu.memory_space<hbm>>) target(%arg6 : memref<100x64xi32, #tpu.memory_space<vmem>>) target_semaphore(%run_scoped3A : memref<!tpu.dma_semaphore, #tpu.memory_space<semaphore_mem>>)
      %dma_wait3A_102 = arith.constant 0 : i32
      %dma_wait3A_103 = arith.constant 0 : i32
      %dma_wait3A_104 = tpu.memref_slice %arg2[%add3A, %dma_wait3A_102, %dma_wait3A_103] : memref<32x100x64xi32, #tpu.memory_space<hbm>> -> memref<1x100x64xi32, #tpu.memory_space<hbm>>
      %dma_wait3A_105 = tpu.memref_squeeze %dma_wait3A_104 : memref<1x100x64xi32, #tpu.memory_space<hbm>> -> memref<100x64xi32, #tpu.memory_space<hbm>>
      %dma_wait3A_106 = arith.constant 0 : i32
      %dma_wait3A_107 = arith.constant 0 : i32
      %dma_wait3A_108 = tpu.memref_slice %arg2[%add3A, %dma_wait3A_106, %dma_wait3A_107] : memref<32x100x64xi32, #tpu.memory_space<hbm>> -> memref<1x100x64xi32, #tpu.memory_space<hbm>>
      %dma_wait3A_109 = tpu.memref_squeeze %dma_wait3A_108 : memref<1x100x64xi32, #tpu.memory_space<hbm>> -> memref<100x64xi32, #tpu.memory_space<hbm>>
      tpu.wait_dma2 semaphore(%run_scoped3A : memref<!tpu.dma_semaphore, #tpu.memory_space<semaphore_mem>>) src(%dma_wait3A_109 : memref<100x64xi32, #tpu.memory_space<hbm>>) dst(%arg6 : memref<100x64xi32, #tpu.memory_space<vmem>>)
      tpu.yield
    }) : () -> ()
    "tpu.region"() ({
      %run_scoped3A = tpu.sem_alloc : memref<!tpu.dma_semaphore, #tpu.memory_space<semaphore_mem>>
      %dma_start3A_94 = arith.constant 0 : i32
      %dma_start3A_95 = arith.constant 0 : i32
      %dma_start3A_96 = tpu.memref_slice %arg8[%dma_start3A_94, %dma_start3A_95] : memref<264x64xf32, #tpu.memory_space<vmem>> -> memref<200x64xf32, #tpu.memory_space<vmem>>
      %dma_start3A_97 = arith.constant 0 : i32
      %dma_start3A_98 = arith.constant 0 : i32
      %dma_start3A_99 = tpu.memref_slice %arg4[%dma_start3A_97, %dma_start3A_98] : memref<2048x64xf32, #tpu.memory_space<hbm>> -> memref<200x64xf32, #tpu.memory_space<hbm>>
      %dma_start3A_100 = arith.constant 0 : i32
      %dma_start3A_101 = arith.constant 0 : i32
      %dma_start3A_102 = tpu.memref_slice %arg8[%dma_start3A_100, %dma_start3A_101] : memref<264x64xf32, #tpu.memory_space<vmem>> -> memref<200x64xf32, #tpu.memory_space<vmem>>
      %dma_start3A_103 = arith.constant 0 : i32
      %dma_start3A_104 = arith.constant 0 : i32
      %dma_start3A_105 = tpu.memref_slice %arg4[%dma_start3A_103, %dma_start3A_104] : memref<2048x64xf32, #tpu.memory_space<hbm>> -> memref<200x64xf32, #tpu.memory_space<hbm>>
      tpu.enqueue_dma source(%dma_start3A_105 : memref<200x64xf32, #tpu.memory_space<hbm>>) target(%dma_start3A_102 : memref<200x64xf32, #tpu.memory_space<vmem>>) target_semaphore(%run_scoped3A : memref<!tpu.dma_semaphore, #tpu.memory_space<semaphore_mem>>)
      %dma_wait3A_106 = arith.constant 0 : i32
      %dma_wait3A_107 = arith.constant 0 : i32
      %dma_wait3A_108 = tpu.memref_slice %arg8[%dma_wait3A_106, %dma_wait3A_107] : memref<264x64xf32, #tpu.memory_space<vmem>> -> memref<200x64xf32, #tpu.memory_space<vmem>>
      %dma_wait3A_109 = arith.constant 0 : i32
      %dma_wait3A_110 = arith.constant 0 : i32
      %dma_wait3A_111 = tpu.memref_slice %arg4[%dma_wait3A_109, %dma_wait3A_110] : memref<2048x64xf32, #tpu.memory_space<hbm>> -> memref<200x64xf32, #tpu.memory_space<hbm>>
      %dma_wait3A_112 = arith.constant 0 : i32
      %dma_wait3A_113 = arith.constant 0 : i32
      %dma_wait3A_114 = tpu.memref_slice %arg8[%dma_wait3A_112, %dma_wait3A_113] : memref<264x64xf32, #tpu.memory_space<vmem>> -> memref<200x64xf32, #tpu.memory_space<vmem>>
      %dma_wait3A_115 = arith.constant 0 : i32
      %dma_wait3A_116 = arith.constant 0 : i32
      %dma_wait3A_117 = tpu.memref_slice %arg4[%dma_wait3A_115, %dma_wait3A_116] : memref<2048x64xf32, #tpu.memory_space<hbm>> -> memref<200x64xf32, #tpu.memory_space<hbm>>
      tpu.wait_dma2 semaphore(%run_scoped3A : memref<!tpu.dma_semaphore, #tpu.memory_space<semaphore_mem>>) src(%dma_wait3A_117 : memref<200x64xf32, #tpu.memory_space<hbm>>) dst(%dma_wait3A_114 : memref<200x64xf32, #tpu.memory_space<vmem>>)
      tpu.yield
    }) : () -> ()
    "tpu.region"() ({
      %run_scoped3A = tpu.sem_alloc : memref<!tpu.dma_semaphore, #tpu.memory_space<semaphore_mem>>
      %dma_start3A_94 = arith.constant 200 : i32
      %dma_start3A_95 = arith.constant 0 : i32
      %dma_start3A_96 = tpu.memref_slice %arg8[%dma_start3A_94, %dma_start3A_95] : memref<264x64xf32, #tpu.memory_space<vmem>> -> memref<64x64xf32, #tpu.memory_space<vmem>>
      %dma_start3A_97 = arith.constant 0 : i32
      %dma_start3A_98 = arith.constant 0 : i32
      %dma_start3A_99 = tpu.memref_slice %arg4[%dma_start3A_97, %dma_start3A_98] : memref<2048x64xf32, #tpu.memory_space<hbm>> -> memref<64x64xf32, #tpu.memory_space<hbm>>
      %dma_start3A_100 = arith.constant 200 : i32
      %dma_start3A_101 = arith.constant 0 : i32
      %dma_start3A_102 = tpu.memref_slice %arg8[%dma_start3A_100, %dma_start3A_101] : memref<264x64xf32, #tpu.memory_space<vmem>> -> memref<64x64xf32, #tpu.memory_space<vmem>>
      %dma_start3A_103 = arith.constant 0 : i32
      %dma_start3A_104 = arith.constant 0 : i32
      %dma_start3A_105 = tpu.memref_slice %arg4[%dma_start3A_103, %dma_start3A_104] : memref<2048x64xf32, #tpu.memory_space<hbm>> -> memref<64x64xf32, #tpu.memory_space<hbm>>
      tpu.enqueue_dma source(%dma_start3A_105 : memref<64x64xf32, #tpu.memory_space<hbm>>) target(%dma_start3A_102 : memref<64x64xf32, #tpu.memory_space<vmem>>) target_semaphore(%run_scoped3A : memref<!tpu.dma_semaphore, #tpu.memory_space<semaphore_mem>>)
      %dma_wait3A_106 = arith.constant 200 : i32
      %dma_wait3A_107 = arith.constant 0 : i32
      %dma_wait3A_108 = tpu.memref_slice %arg8[%dma_wait3A_106, %dma_wait3A_107] : memref<264x64xf32, #tpu.memory_space<vmem>> -> memref<64x64xf32, #tpu.memory_space<vmem>>
      %dma_wait3A_109 = arith.constant 0 : i32
      %dma_wait3A_110 = arith.constant 0 : i32
      %dma_wait3A_111 = tpu.memref_slice %arg4[%dma_wait3A_109, %dma_wait3A_110] : memref<2048x64xf32, #tpu.memory_space<hbm>> -> memref<64x64xf32, #tpu.memory_space<hbm>>
      %dma_wait3A_112 = arith.constant 200 : i32
      %dma_wait3A_113 = arith.constant 0 : i32
      %dma_wait3A_114 = tpu.memref_slice %arg8[%dma_wait3A_112, %dma_wait3A_113] : memref<264x64xf32, #tpu.memory_space<vmem>> -> memref<64x64xf32, #tpu.memory_space<vmem>>
      %dma_wait3A_115 = arith.constant 0 : i32
      %dma_wait3A_116 = arith.constant 0 : i32
      %dma_wait3A_117 = tpu.memref_slice %arg4[%dma_wait3A_115, %dma_wait3A_116] : memref<2048x64xf32, #tpu.memory_space<hbm>> -> memref<64x64xf32, #tpu.memory_space<hbm>>
      tpu.wait_dma2 semaphore(%run_scoped3A : memref<!tpu.dma_semaphore, #tpu.memory_space<semaphore_mem>>) src(%dma_wait3A_117 : memref<64x64xf32, #tpu.memory_space<hbm>>) dst(%dma_wait3A_114 : memref<64x64xf32, #tpu.memory_space<vmem>>)
      tpu.yield
    }) : () -> ()
    %dma_start3A = arith.constant 0 : i32
    %dma_start3A_3 = arith.constant 0 : i32
    %dma_start3A_4 = arith.constant 0 : i32
    %dma_start3A_5 = arith.constant 0 : i32
    %dma_start3A_6 = tpu.memref_slice %arg7[%dma_start3A_3, %dma_start3A_4, %dma_start3A_5] : memref<4x64x64xf32, #tpu.memory_space<vmem>> -> memref<1x64x64xf32, #tpu.memory_space<vmem>>
    %dma_start3A_7 = tpu.memref_squeeze %dma_start3A_6 : memref<1x64x64xf32, #tpu.memory_space<vmem>> -> memref<64x64xf32, #tpu.memory_space<vmem>>
    %dma_start3A_8 = arith.constant 0 : i32
    %dma_start3A_9 = tpu.memref_slice %arg6[%dma_start3A, %dma_start3A_8] : memref<100x64xi32, #tpu.memory_space<vmem>> -> memref<1x64xi32, #tpu.memory_space<vmem>>
    %dma_start3A_10 = tpu.memref_squeeze %dma_start3A_9 : memref<1x64xi32, #tpu.memory_space<vmem>> -> memref<64xi32, #tpu.memory_space<vmem>>
    %dma_start3A_11 = arith.constant 0 : i32
    %dma_start3A_12 = arith.constant 0 : i32
    %dma_start3A_13 = tpu.memref_slice %arg3[%dma_start3A_11, %dma_start3A_12] : memref<1000000x64xf32, #tpu.memory_space<hbm>> -> memref<1000000x64xf32, #tpu.memory_space<hbm>>
    tpu.enqueue_indirect_dma source(%dma_start3A_13 : memref<1000000x64xf32, #tpu.memory_space<hbm>>) target(%dma_start3A_7 : memref<64x64xf32, #tpu.memory_space<vmem>>) offsets(%dma_start3A_10 : memref<64xi32, #tpu.memory_space<vmem>>) semaphore(%arg9 : memref<!tpu.dma_semaphore, #tpu.memory_space<semaphore_mem>>)
    %dma_start3A_14 = arith.constant 1 : i32
    %dma_start3A_15 = arith.constant 1 : i32
    %dma_start3A_16 = arith.constant 0 : i32
    %dma_start3A_17 = arith.constant 0 : i32
    %dma_start3A_18 = tpu.memref_slice %arg7[%dma_start3A_15, %dma_start3A_16, %dma_start3A_17] : memref<4x64x64xf32, #tpu.memory_space<vmem>> -> memref<1x64x64xf32, #tpu.memory_space<vmem>>
    %dma_start3A_19 = tpu.memref_squeeze %dma_start3A_18 : memref<1x64x64xf32, #tpu.memory_space<vmem>> -> memref<64x64xf32, #tpu.memory_space<vmem>>
    %dma_start3A_20 = arith.constant 0 : i32
    %dma_start3A_21 = tpu.memref_slice %arg6[%dma_start3A_14, %dma_start3A_20] : memref<100x64xi32, #tpu.memory_space<vmem>> -> memref<1x64xi32, #tpu.memory_space<vmem>>
    %dma_start3A_22 = tpu.memref_squeeze %dma_start3A_21 : memref<1x64xi32, #tpu.memory_space<vmem>> -> memref<64xi32, #tpu.memory_space<vmem>>
    %dma_start3A_23 = arith.constant 0 : i32
    %dma_start3A_24 = arith.constant 0 : i32
    %dma_start3A_25 = tpu.memref_slice %arg3[%dma_start3A_23, %dma_start3A_24] : memref<1000000x64xf32, #tpu.memory_space<hbm>> -> memref<1000000x64xf32, #tpu.memory_space<hbm>>
    tpu.enqueue_indirect_dma source(%dma_start3A_25 : memref<1000000x64xf32, #tpu.memory_space<hbm>>) target(%dma_start3A_19 : memref<64x64xf32, #tpu.memory_space<vmem>>) offsets(%dma_start3A_22 : memref<64xi32, #tpu.memory_space<vmem>>) semaphore(%arg10 : memref<!tpu.dma_semaphore, #tpu.memory_space<semaphore_mem>>)
    %dma_start3A_26 = arith.constant 2 : i32
    %dma_start3A_27 = arith.constant 2 : i32
    %dma_start3A_28 = arith.constant 0 : i32
    %dma_start3A_29 = arith.constant 0 : i32
    %dma_start3A_30 = tpu.memref_slice %arg7[%dma_start3A_27, %dma_start3A_28, %dma_start3A_29] : memref<4x64x64xf32, #tpu.memory_space<vmem>> -> memref<1x64x64xf32, #tpu.memory_space<vmem>>
    %dma_start3A_31 = tpu.memref_squeeze %dma_start3A_30 : memref<1x64x64xf32, #tpu.memory_space<vmem>> -> memref<64x64xf32, #tpu.memory_space<vmem>>
    %dma_start3A_32 = arith.constant 0 : i32
    %dma_start3A_33 = tpu.memref_slice %arg6[%dma_start3A_26, %dma_start3A_32] : memref<100x64xi32, #tpu.memory_space<vmem>> -> memref<1x64xi32, #tpu.memory_space<vmem>>
    %dma_start3A_34 = tpu.memref_squeeze %dma_start3A_33 : memref<1x64xi32, #tpu.memory_space<vmem>> -> memref<64xi32, #tpu.memory_space<vmem>>
    %dma_start3A_35 = arith.constant 0 : i32
    %dma_start3A_36 = arith.constant 0 : i32
    %dma_start3A_37 = tpu.memref_slice %arg3[%dma_start3A_35, %dma_start3A_36] : memref<1000000x64xf32, #tpu.memory_space<hbm>> -> memref<1000000x64xf32, #tpu.memory_space<hbm>>
    tpu.enqueue_indirect_dma source(%dma_start3A_37 : memref<1000000x64xf32, #tpu.memory_space<hbm>>) target(%dma_start3A_31 : memref<64x64xf32, #tpu.memory_space<vmem>>) offsets(%dma_start3A_34 : memref<64xi32, #tpu.memory_space<vmem>>) semaphore(%arg11 : memref<!tpu.dma_semaphore, #tpu.memory_space<semaphore_mem>>)
    %scan3A = arith.constant 0 : i32
    %scan3A_38 = arith.constant 0 : i32
    %scan3A_39 = arith.constant 25 : i32
    %scan3A_40 = arith.addi %scan3A_38, %scan3A_39 : i32
    %scan3A_41 = arith.constant 1 : i32
    scf.for %scan3A_94 = %scan3A_38 to %scan3A_40 step %scan3A_41  : i32 {
      %mul3A_95 = arith.constant 4 : i32
      %mul3A_96 = arith.muli %scan3A_94, %mul3A_95 : i32
      %add3A_97 = arith.constant 0 : i32
      %add3A_98 = arith.addi %mul3A_96, %add3A_97 : i32
      %add3A_99 = arith.constant 4 : i32
      %add3A_100 = arith.addi %add3A_98, %add3A_99 : i32
      %sub3A = arith.constant 1 : i32
      %sub3A_101 = arith.subi %add3A_100, %sub3A : i32
      %lt3A = arith.constant 100 : i32
      %lt3A_102 = arith.cmpi slt, %sub3A_101, %lt3A : i32
      %convert_element_type3A = arith.extui %lt3A_102 : i1 to i32
      %cond3A = arith.constant 0 : i32
      %cond3A_103 = arith.cmpi ne, %convert_element_type3A, %cond3A : i32
      scf.if %cond3A_103 {
        %ge3A = arith.constant 4 : i32
        %ge3A_271 = arith.cmpi sge, %sub3A_101, %ge3A : i32
        %convert_element_type3A_272 = arith.extui %ge3A_271 : i1 to i32
        %cond3A_273 = arith.constant 0 : i32
        %cond3A_274 = arith.cmpi ne, %convert_element_type3A_272, %cond3A_273 : i32
        scf.if %cond3A_274 {
          %dma_wait3A_286 = arith.constant 3 : i32
          %dma_wait3A_287 = arith.constant 0 : i32
          %dma_wait3A_288 = arith.constant 0 : i32
          %dma_wait3A_289 = tpu.memref_slice %arg7[%dma_wait3A_286, %dma_wait3A_287, %dma_wait3A_288] : memref<4x64x64xf32, #tpu.memory_space<vmem>> -> memref<1x64x64xf32, #tpu.memory_space<vmem>>
          %dma_wait3A_290 = tpu.memref_squeeze %dma_wait3A_289 : memref<1x64x64xf32, #tpu.memory_space<vmem>> -> memref<64x64xf32, #tpu.memory_space<vmem>>
          %dma_wait3A_291 = arith.constant 0 : i32
          %dma_wait3A_292 = tpu.memref_slice %arg5[%mul3A_2, %dma_wait3A_291] : memref<204800x64xf32, #tpu.memory_space<hbm>> -> memref<64x64xf32, #tpu.memory_space<hbm>>
          %dma_wait3A_293 = arith.constant 0 : i32
          %dma_wait3A_294 = tpu.memref_slice %arg5[%mul3A_2, %dma_wait3A_293] : memref<204800x64xf32, #tpu.memory_space<hbm>> -> memref<64x64xf32, #tpu.memory_space<hbm>>
          %dma_wait3A_295 = arith.constant 0 : i32
          %dma_wait3A_296 = arith.constant 0 : i32
          %dma_wait3A_297 = tpu.memref_slice %arg7[%dma_wait3A_286, %dma_wait3A_295, %dma_wait3A_296] : memref<4x64x64xf32, #tpu.memory_space<vmem>> -> memref<1x64x64xf32, #tpu.memory_space<vmem>>
          %dma_wait3A_298 = tpu.memref_squeeze %dma_wait3A_297 : memref<1x64x64xf32, #tpu.memory_space<vmem>> -> memref<64x64xf32, #tpu.memory_space<vmem>>
          tpu.wait_dma2 semaphore(%arg16 : memref<!tpu.dma_semaphore, #tpu.memory_space<semaphore_mem>>) src(%dma_wait3A_298 : memref<64x64xf32, #tpu.memory_space<vmem>>) dst(%dma_wait3A_294 : memref<64x64xf32, #tpu.memory_space<hbm>>)
        } else {
        }
        %dma_start3A_275 = arith.constant 3 : i32
        %dma_start3A_276 = arith.constant 0 : i32
        %dma_start3A_277 = arith.constant 0 : i32
        %dma_start3A_278 = tpu.memref_slice %arg7[%dma_start3A_275, %dma_start3A_276, %dma_start3A_277] : memref<4x64x64xf32, #tpu.memory_space<vmem>> -> memref<1x64x64xf32, #tpu.memory_space<vmem>>
        %dma_start3A_279 = tpu.memref_squeeze %dma_start3A_278 : memref<1x64x64xf32, #tpu.memory_space<vmem>> -> memref<64x64xf32, #tpu.memory_space<vmem>>
        %dma_start3A_280 = arith.constant 0 : i32
        %dma_start3A_281 = tpu.memref_slice %arg6[%sub3A_101, %dma_start3A_280] : memref<100x64xi32, #tpu.memory_space<vmem>> -> memref<1x64xi32, #tpu.memory_space<vmem>>
        %dma_start3A_282 = tpu.memref_squeeze %dma_start3A_281 : memref<1x64xi32, #tpu.memory_space<vmem>> -> memref<64xi32, #tpu.memory_space<vmem>>
        %dma_start3A_283 = arith.constant 0 : i32
        %dma_start3A_284 = arith.constant 0 : i32
        %dma_start3A_285 = tpu.memref_slice %arg3[%dma_start3A_283, %dma_start3A_284] : memref<1000000x64xf32, #tpu.memory_space<hbm>> -> memref<1000000x64xf32, #tpu.memory_space<hbm>>
        tpu.enqueue_indirect_dma source(%dma_start3A_285 : memref<1000000x64xf32, #tpu.memory_space<hbm>>) target(%dma_start3A_279 : memref<64x64xf32, #tpu.memory_space<vmem>>) offsets(%dma_start3A_282 : memref<64xi32, #tpu.memory_space<vmem>>) semaphore(%arg12 : memref<!tpu.dma_semaphore, #tpu.memory_space<semaphore_mem>>)
      } else {
      }
      %dma_wait3A_104 = arith.constant 0 : i32
      %dma_wait3A_105 = arith.constant 0 : i32
      %dma_wait3A_106 = arith.constant 0 : i32
      %dma_wait3A_107 = tpu.memref_slice %arg7[%dma_wait3A_104, %dma_wait3A_105, %dma_wait3A_106] : memref<4x64x64xf32, #tpu.memory_space<vmem>> -> memref<1x64x64xf32, #tpu.memory_space<vmem>>
      %dma_wait3A_108 = tpu.memref_squeeze %dma_wait3A_107 : memref<1x64x64xf32, #tpu.memory_space<vmem>> -> memref<64x64xf32, #tpu.memory_space<vmem>>
      %dma_wait3A_109 = arith.constant 0 : i32
      %dma_wait3A_110 = tpu.memref_slice %arg6[%add3A_98, %dma_wait3A_109] : memref<100x64xi32, #tpu.memory_space<vmem>> -> memref<1x64xi32, #tpu.memory_space<vmem>>
      %dma_wait3A_111 = tpu.memref_squeeze %dma_wait3A_110 : memref<1x64xi32, #tpu.memory_space<vmem>> -> memref<64xi32, #tpu.memory_space<vmem>>
      %dma_wait3A_112 = arith.constant 0 : i32
      %dma_wait3A_113 = arith.constant 0 : i32
      %dma_wait3A_114 = tpu.memref_slice %arg3[%dma_wait3A_112, %dma_wait3A_113] : memref<1000000x64xf32, #tpu.memory_space<hbm>> -> memref<1000000x64xf32, #tpu.memory_space<hbm>>
      tpu.wait_indirect_dma semaphore(%arg9 : memref<!tpu.dma_semaphore, #tpu.memory_space<semaphore_mem>>) src(%dma_wait3A_114 : memref<1000000x64xf32, #tpu.memory_space<hbm>>) dst(%dma_wait3A_108 : memref<64x64xf32, #tpu.memory_space<vmem>>)
      %mul3A_115 = arith.constant 64 : i32
      %mul3A_116 = arith.muli %add3A_98, %mul3A_115 : i32
      %rem3A = arith.constant 200 : i32
      %rem3A_117 = arith.remsi %mul3A_116, %rem3A : i32
      %parallel_loop3A = arith.constant 0 : i32
      %parallel_loop3A_118 = arith.constant 64 : i32
      %parallel_loop3A_119 = arith.constant 1 : i32
      scf.for %parallel_loop3A_271 = %parallel_loop3A to %parallel_loop3A_118 step %parallel_loop3A_119  : i32 {
        %parallel_loop3A_272 = arith.constant 0 : i32
        %parallel_loop3A_273 = arith.index_cast %parallel_loop3A_272 : i32 to index
        %parallel_loop3A_274 = arith.index_cast %parallel_loop3A_271 : i32 to index
        %parallel_loop3A_275 = arith.constant 0 : index
        %parallel_loop3A_276 = tpu.vector_load %arg7[%parallel_loop3A_273, %parallel_loop3A_274, %parallel_loop3A_275] {strides = array<i32>} : memref<4x64x64xf32, #tpu.memory_space<vmem>>, vector<1x1x16xf32>,
        %parallel_loop3A_277 = vector.shape_cast %parallel_loop3A_276 : vector<1x1x16xf32> to vector<16xf32>
        %parallel_loop3A_278 = arith.addi %rem3A_117, %parallel_loop3A_271 : i32
        %parallel_loop3A_279 = arith.index_cast %parallel_loop3A_278 : i32 to index
        %parallel_loop3A_280 = arith.constant 0 : index
        %parallel_loop3A_281 = tpu.vector_load %arg8[%parallel_loop3A_279, %parallel_loop3A_280] {strides = array<i32>} : memref<264x64xf32, #tpu.memory_space<vmem>>, vector<1x16xf32>,
        %parallel_loop3A_282 = vector.shape_cast %parallel_loop3A_281 : vector<1x16xf32> to vector<16xf32>
        %parallel_loop3A_283 = arith.addf %parallel_loop3A_277, %parallel_loop3A_282 : vector<16xf32>
        %parallel_loop3A_284 = arith.constant 0 : i32
        %parallel_loop3A_285 = arith.index_cast %parallel_loop3A_284 : i32 to index
        %parallel_loop3A_286 = arith.index_cast %parallel_loop3A_271 : i32 to index
        %parallel_loop3A_287 = arith.constant 0 : index
        %parallel_loop3A_288 = tpu.vector_load %arg7[%parallel_loop3A_285, %parallel_loop3A_286, %parallel_loop3A_287] {strides = array<i32>} : memref<4x64x64xf32, #tpu.memory_space<vmem>>, vector<1x1x16xf32>,
        %parallel_loop3A_289 = vector.shape_cast %parallel_loop3A_288 : vector<1x1x16xf32> to vector<16xf32>
        %parallel_loop3A_290 = vector.shape_cast %parallel_loop3A_283 : vector<16xf32> to vector<1x1x16xf32>
        tpu.vector_store %arg7[%parallel_loop3A_285, %parallel_loop3A_286, %parallel_loop3A_287], %parallel_loop3A_290 {strides = array<i32>} : memref<4x64x64xf32, #tpu.memory_space<vmem>>, vector<1x1x16xf32>,
        %parallel_loop3A_291 = arith.constant 0 : i32
        %parallel_loop3A_292 = arith.index_cast %parallel_loop3A_291 : i32 to index
        %parallel_loop3A_293 = arith.index_cast %parallel_loop3A_271 : i32 to index
        %parallel_loop3A_294 = arith.constant 16 : index
        %parallel_loop3A_295 = tpu.vector_load %arg7[%parallel_loop3A_292, %parallel_loop3A_293, %parallel_loop3A_294] {strides = array<i32>} : memref<4x64x64xf32, #tpu.memory_space<vmem>>, vector<1x1x16xf32>,
        %parallel_loop3A_296 = vector.shape_cast %parallel_loop3A_295 : vector<1x1x16xf32> to vector<16xf32>
        %parallel_loop3A_297 = arith.addi %rem3A_117, %parallel_loop3A_271 : i32
        %parallel_loop3A_298 = arith.index_cast %parallel_loop3A_297 : i32 to index
        %parallel_loop3A_299 = arith.constant 16 : index
        %parallel_loop3A_300 = tpu.vector_load %arg8[%parallel_loop3A_298, %parallel_loop3A_299] {strides = array<i32>} : memref<264x64xf32, #tpu.memory_space<vmem>>, vector<1x16xf32>,
        %parallel_loop3A_301 = vector.shape_cast %parallel_loop3A_300 : vector<1x16xf32> to vector<16xf32>
        %parallel_loop3A_302 = arith.addf %parallel_loop3A_296, %parallel_loop3A_301 : vector<16xf32>
        %parallel_loop3A_303 = arith.constant 0 : i32
        %parallel_loop3A_304 = arith.index_cast %parallel_loop3A_303 : i32 to index
        %parallel_loop3A_305 = arith.index_cast %parallel_loop3A_271 : i32 to index
        %parallel_loop3A_306 = arith.constant 16 : index
        %parallel_loop3A_307 = tpu.vector_load %arg7[%parallel_loop3A_304, %parallel_loop3A_305, %parallel_loop3A_306] {strides = array<i32>} : memref<4x64x64xf32, #tpu.memory_space<vmem>>, vector<1x1x16xf32>,
        %parallel_loop3A_308 = vector.shape_cast %parallel_loop3A_307 : vector<1x1x16xf32> to vector<16xf32>
        %parallel_loop3A_309 = vector.shape_cast %parallel_loop3A_302 : vector<16xf32> to vector<1x1x16xf32>
        tpu.vector_store %arg7[%parallel_loop3A_304, %parallel_loop3A_305, %parallel_loop3A_306], %parallel_loop3A_309 {strides = array<i32>} : memref<4x64x64xf32, #tpu.memory_space<vmem>>, vector<1x1x16xf32>,
        %parallel_loop3A_310 = arith.constant 0 : i32
        %parallel_loop3A_311 = arith.index_cast %parallel_loop3A_310 : i32 to index
        %parallel_loop3A_312 = arith.index_cast %parallel_loop3A_271 : i32 to index
        %parallel_loop3A_313 = arith.constant 32 : index
        %parallel_loop3A_314 = tpu.vector_load %arg7[%parallel_loop3A_311, %parallel_loop3A_312, %parallel_loop3A_313] {strides = array<i32>} : memref<4x64x64xf32, #tpu.memory_space<vmem>>, vector<1x1x16xf32>,
        %parallel_loop3A_315 = vector.shape_cast %parallel_loop3A_314 : vector<1x1x16xf32> to vector<16xf32>
        %parallel_loop3A_316 = arith.addi %rem3A_117, %parallel_loop3A_271 : i32
        %parallel_loop3A_317 = arith.index_cast %parallel_loop3A_316 : i32 to index
        %parallel_loop3A_318 = arith.constant 32 : index
        %parallel_loop3A_319 = tpu.vector_load %arg8[%parallel_loop3A_317, %parallel_loop3A_318] {strides = array<i32>} : memref<264x64xf32, #tpu.memory_space<vmem>>, vector<1x16xf32>,
        %parallel_loop3A_320 = vector.shape_cast %parallel_loop3A_319 : vector<1x16xf32> to vector<16xf32>
        %parallel_loop3A_321 = arith.addf %parallel_loop3A_315, %parallel_loop3A_320 : vector<16xf32>
        %parallel_loop3A_322 = arith.constant 0 : i32
        %parallel_loop3A_323 = arith.index_cast %parallel_loop3A_322 : i32 to index
        %parallel_loop3A_324 = arith.index_cast %parallel_loop3A_271 : i32 to index
        %parallel_loop3A_325 = arith.constant 32 : index
        %parallel_loop3A_326 = tpu.vector_load %arg7[%parallel_loop3A_323, %parallel_loop3A_324, %parallel_loop3A_325] {strides = array<i32>} : memref<4x64x64xf32, #tpu.memory_space<vmem>>, vector<1x1x16xf32>,
        %parallel_loop3A_327 = vector.shape_cast %parallel_loop3A_326 : vector<1x1x16xf32> to vector<16xf32>
        %parallel_loop3A_328 = vector.shape_cast %parallel_loop3A_321 : vector<16xf32> to vector<1x1x16xf32>
        tpu.vector_store %arg7[%parallel_loop3A_323, %parallel_loop3A_324, %parallel_loop3A_325], %parallel_loop3A_328 {strides = array<i32>} : memref<4x64x64xf32, #tpu.memory_space<vmem>>, vector<1x1x16xf32>,
        %parallel_loop3A_329 = arith.constant 0 : i32
        %parallel_loop3A_330 = arith.index_cast %parallel_loop3A_329 : i32 to index
        %parallel_loop3A_331 = arith.index_cast %parallel_loop3A_271 : i32 to index
        %parallel_loop3A_332 = arith.constant 48 : index
        %parallel_loop3A_333 = tpu.vector_load %arg7[%parallel_loop3A_330, %parallel_loop3A_331, %parallel_loop3A_332] {strides = array<i32>} : memref<4x64x64xf32, #tpu.memory_space<vmem>>, vector<1x1x16xf32>,
        %parallel_loop3A_334 = vector.shape_cast %parallel_loop3A_333 : vector<1x1x16xf32> to vector<16xf32>
        %parallel_loop3A_335 = arith.addi %rem3A_117, %parallel_loop3A_271 : i32
        %parallel_loop3A_336 = arith.index_cast %parallel_loop3A_335 : i32 to index
        %parallel_loop3A_337 = arith.constant 48 : index
        %parallel_loop3A_338 = tpu.vector_load %arg8[%parallel_loop3A_336, %parallel_loop3A_337] {strides = array<i32>} : memref<264x64xf32, #tpu.memory_space<vmem>>, vector<1x16xf32>,
        %parallel_loop3A_339 = vector.shape_cast %parallel_loop3A_338 : vector<1x16xf32> to vector<16xf32>
        %parallel_loop3A_340 = arith.addf %parallel_loop3A_334, %parallel_loop3A_339 : vector<16xf32>
        %parallel_loop3A_341 = arith.constant 0 : i32
        %parallel_loop3A_342 = arith.index_cast %parallel_loop3A_341 : i32 to index
        %parallel_loop3A_343 = arith.index_cast %parallel_loop3A_271 : i32 to index
        %parallel_loop3A_344 = arith.constant 48 : index
        %parallel_loop3A_345 = tpu.vector_load %arg7[%parallel_loop3A_342, %parallel_loop3A_343, %parallel_loop3A_344] {strides = array<i32>} : memref<4x64x64xf32, #tpu.memory_space<vmem>>, vector<1x1x16xf32>,
        %parallel_loop3A_346 = vector.shape_cast %parallel_loop3A_345 : vector<1x1x16xf32> to vector<16xf32>
        %parallel_loop3A_347 = vector.shape_cast %parallel_loop3A_340 : vector<16xf32> to vector<1x1x16xf32>
        tpu.vector_store %arg7[%parallel_loop3A_342, %parallel_loop3A_343, %parallel_loop3A_344], %parallel_loop3A_347 {strides = array<i32>} : memref<4x64x64xf32, #tpu.memory_space<vmem>>, vector<1x1x16xf32>,
      } {sc.loop_unroll_factor = 8 : i64, sc.parallel_access}
      %mul3A_120 = arith.constant 64 : i32
      %mul3A_121 = arith.muli %add3A_98, %mul3A_120 : i32
      %add3A_122 = arith.addi %mul3A_2, %mul3A_121 : i32
      %dma_start3A_123 = arith.constant 0 : i32
      %dma_start3A_124 = arith.constant 0 : i32
      %dma_start3A_125 = arith.constant 0 : i32
      %dma_start3A_126 = tpu.memref_slice %arg7[%dma_start3A_123, %dma_start3A_124, %dma_start3A_125] : memref<4x64x64xf32, #tpu.memory_space<vmem>> -> memref<1x64x64xf32, #tpu.memory_space<vmem>>
      %dma_start3A_127 = tpu.memref_squeeze %dma_start3A_126 : memref<1x64x64xf32, #tpu.memory_space<vmem>> -> memref<64x64xf32, #tpu.memory_space<vmem>>
      %dma_start3A_128 = arith.constant 0 : i32
      %dma_start3A_129 = tpu.memref_slice %arg5[%add3A_122, %dma_start3A_128] : memref<204800x64xf32, #tpu.memory_space<hbm>> -> memref<64x64xf32, #tpu.memory_space<hbm>>
      %dma_start3A_130 = arith.constant 0 : i32
      %dma_start3A_131 = tpu.memref_slice %arg5[%add3A_122, %dma_start3A_130] : memref<204800x64xf32, #tpu.memory_space<hbm>> -> memref<64x64xf32, #tpu.memory_space<hbm>>
      %dma_start3A_132 = arith.constant 0 : i32
      %dma_start3A_133 = arith.constant 0 : i32
      %dma_start3A_134 = tpu.memref_slice %arg7[%dma_start3A_123, %dma_start3A_132, %dma_start3A_133] : memref<4x64x64xf32, #tpu.memory_space<vmem>> -> memref<1x64x64xf32, #tpu.memory_space<vmem>>
      %dma_start3A_135 = tpu.memref_squeeze %dma_start3A_134 : memref<1x64x64xf32, #tpu.memory_space<vmem>> -> memref<64x64xf32, #tpu.memory_space<vmem>>
      tpu.enqueue_dma source(%dma_start3A_135 : memref<64x64xf32, #tpu.memory_space<vmem>>) target(%dma_start3A_131 : memref<64x64xf32, #tpu.memory_space<hbm>>) target_semaphore(%arg13 : memref<!tpu.dma_semaphore, #tpu.memory_space<semaphore_mem>>)
      %add3A_136 = arith.constant 1 : i32
      %add3A_137 = arith.addi %mul3A_96, %add3A_136 : i32
      %add3A_138 = arith.constant 4 : i32
      %add3A_139 = arith.addi %add3A_137, %add3A_138 : i32
      %sub3A_140 = arith.constant 1 : i32
      %sub3A_141 = arith.subi %add3A_139, %sub3A_140 : i32
      %lt3A_142 = arith.constant 100 : i32
      %lt3A_143 = arith.cmpi slt, %sub3A_141, %lt3A_142 : i32
      %convert_element_type3A_144 = arith.extui %lt3A_143 : i1 to i32
      %cond3A_145 = arith.constant 0 : i32
      %cond3A_146 = arith.cmpi ne, %convert_element_type3A_144, %cond3A_145 : i32
      scf.if %cond3A_146 {
        %ge3A = arith.constant 4 : i32
        %ge3A_271 = arith.cmpi sge, %sub3A_141, %ge3A : i32
        %convert_element_type3A_272 = arith.extui %ge3A_271 : i1 to i32
        %cond3A_273 = arith.constant 0 : i32
        %cond3A_274 = arith.cmpi ne, %convert_element_type3A_272, %cond3A_273 : i32
        scf.if %cond3A_274 {
          %dma_wait3A_286 = arith.constant 0 : i32
          %dma_wait3A_287 = arith.constant 0 : i32
          %dma_wait3A_288 = arith.constant 0 : i32
          %dma_wait3A_289 = tpu.memref_slice %arg7[%dma_wait3A_286, %dma_wait3A_287, %dma_wait3A_288] : memref<4x64x64xf32, #tpu.memory_space<vmem>> -> memref<1x64x64xf32, #tpu.memory_space<vmem>>
          %dma_wait3A_290 = tpu.memref_squeeze %dma_wait3A_289 : memref<1x64x64xf32, #tpu.memory_space<vmem>> -> memref<64x64xf32, #tpu.memory_space<vmem>>
          %dma_wait3A_291 = arith.constant 0 : i32
          %dma_wait3A_292 = tpu.memref_slice %arg5[%mul3A_2, %dma_wait3A_291] : memref<204800x64xf32, #tpu.memory_space<hbm>> -> memref<64x64xf32, #tpu.memory_space<hbm>>
          %dma_wait3A_293 = arith.constant 0 : i32
          %dma_wait3A_294 = tpu.memref_slice %arg5[%mul3A_2, %dma_wait3A_293] : memref<204800x64xf32, #tpu.memory_space<hbm>> -> memref<64x64xf32, #tpu.memory_space<hbm>>
          %dma_wait3A_295 = arith.constant 0 : i32
          %dma_wait3A_296 = arith.constant 0 : i32
          %dma_wait3A_297 = tpu.memref_slice %arg7[%dma_wait3A_286, %dma_wait3A_295, %dma_wait3A_296] : memref<4x64x64xf32, #tpu.memory_space<vmem>> -> memref<1x64x64xf32, #tpu.memory_space<vmem>>
          %dma_wait3A_298 = tpu.memref_squeeze %dma_wait3A_297 : memref<1x64x64xf32, #tpu.memory_space<vmem>> -> memref<64x64xf32, #tpu.memory_space<vmem>>
          tpu.wait_dma2 semaphore(%arg13 : memref<!tpu.dma_semaphore, #tpu.memory_space<semaphore_mem>>) src(%dma_wait3A_298 : memref<64x64xf32, #tpu.memory_space<vmem>>) dst(%dma_wait3A_294 : memref<64x64xf32, #tpu.memory_space<hbm>>)
        } else {
        }
        %dma_start3A_275 = arith.constant 0 : i32
        %dma_start3A_276 = arith.constant 0 : i32
        %dma_start3A_277 = arith.constant 0 : i32
        %dma_start3A_278 = tpu.memref_slice %arg7[%dma_start3A_275, %dma_start3A_276, %dma_start3A_277] : memref<4x64x64xf32, #tpu.memory_space<vmem>> -> memref<1x64x64xf32, #tpu.memory_space<vmem>>
        %dma_start3A_279 = tpu.memref_squeeze %dma_start3A_278 : memref<1x64x64xf32, #tpu.memory_space<vmem>> -> memref<64x64xf32, #tpu.memory_space<vmem>>
        %dma_start3A_280 = arith.constant 0 : i32
        %dma_start3A_281 = tpu.memref_slice %arg6[%sub3A_141, %dma_start3A_280] : memref<100x64xi32, #tpu.memory_space<vmem>> -> memref<1x64xi32, #tpu.memory_space<vmem>>
        %dma_start3A_282 = tpu.memref_squeeze %dma_start3A_281 : memref<1x64xi32, #tpu.memory_space<vmem>> -> memref<64xi32, #tpu.memory_space<vmem>>
        %dma_start3A_283 = arith.constant 0 : i32
        %dma_start3A_284 = arith.constant 0 : i32
        %dma_start3A_285 = tpu.memref_slice %arg3[%dma_start3A_283, %dma_start3A_284] : memref<1000000x64xf32, #tpu.memory_space<hbm>> -> memref<1000000x64xf32, #tpu.memory_space<hbm>>
        tpu.enqueue_indirect_dma source(%dma_start3A_285 : memref<1000000x64xf32, #tpu.memory_space<hbm>>) target(%dma_start3A_279 : memref<64x64xf32, #tpu.memory_space<vmem>>) offsets(%dma_start3A_282 : memref<64xi32, #tpu.memory_space<vmem>>) semaphore(%arg9 : memref<!tpu.dma_semaphore, #tpu.memory_space<semaphore_mem>>)
      } else {
      }
      %dma_wait3A_147 = arith.constant 1 : i32
      %dma_wait3A_148 = arith.constant 0 : i32
      %dma_wait3A_149 = arith.constant 0 : i32
      %dma_wait3A_150 = tpu.memref_slice %arg7[%dma_wait3A_147, %dma_wait3A_148, %dma_wait3A_149] : memref<4x64x64xf32, #tpu.memory_space<vmem>> -> memref<1x64x64xf32, #tpu.memory_space<vmem>>
      %dma_wait3A_151 = tpu.memref_squeeze %dma_wait3A_150 : memref<1x64x64xf32, #tpu.memory_space<vmem>> -> memref<64x64xf32, #tpu.memory_space<vmem>>
      %dma_wait3A_152 = arith.constant 0 : i32
      %dma_wait3A_153 = tpu.memref_slice %arg6[%add3A_137, %dma_wait3A_152] : memref<100x64xi32, #tpu.memory_space<vmem>> -> memref<1x64xi32, #tpu.memory_space<vmem>>
      %dma_wait3A_154 = tpu.memref_squeeze %dma_wait3A_153 : memref<1x64xi32, #tpu.memory_space<vmem>> -> memref<64xi32, #tpu.memory_space<vmem>>
      %dma_wait3A_155 = arith.constant 0 : i32
      %dma_wait3A_156 = arith.constant 0 : i32
      %dma_wait3A_157 = tpu.memref_slice %arg3[%dma_wait3A_155, %dma_wait3A_156] : memref<1000000x64xf32, #tpu.memory_space<hbm>> -> memref<1000000x64xf32, #tpu.memory_space<hbm>>
      tpu.wait_indirect_dma semaphore(%arg10 : memref<!tpu.dma_semaphore, #tpu.memory_space<semaphore_mem>>) src(%dma_wait3A_157 : memref<1000000x64xf32, #tpu.memory_space<hbm>>) dst(%dma_wait3A_151 : memref<64x64xf32, #tpu.memory_space<vmem>>)
      %mul3A_158 = arith.constant 64 : i32
      %mul3A_159 = arith.muli %add3A_137, %mul3A_158 : i32
      %rem3A_160 = arith.constant 200 : i32
      %rem3A_161 = arith.remsi %mul3A_159, %rem3A_160 : i32
      %parallel_loop3A_162 = arith.constant 0 : i32
      %parallel_loop3A_163 = arith.constant 64 : i32
      %parallel_loop3A_164 = arith.constant 1 : i32
      scf.for %parallel_loop3A_271 = %parallel_loop3A_162 to %parallel_loop3A_163 step %parallel_loop3A_164  : i32 {
        %parallel_loop3A_272 = arith.constant 1 : i32
        %parallel_loop3A_273 = arith.index_cast %parallel_loop3A_272 : i32 to index
        %parallel_loop3A_274 = arith.index_cast %parallel_loop3A_271 : i32 to index
        %parallel_loop3A_275 = arith.constant 0 : index
        %parallel_loop3A_276 = tpu.vector_load %arg7[%parallel_loop3A_273, %parallel_loop3A_274, %parallel_loop3A_275] {strides = array<i32>} : memref<4x64x64xf32, #tpu.memory_space<vmem>>, vector<1x1x16xf32>,
        %parallel_loop3A_277 = vector.shape_cast %parallel_loop3A_276 : vector<1x1x16xf32> to vector<16xf32>
        %parallel_loop3A_278 = arith.addi %rem3A_161, %parallel_loop3A_271 : i32
        %parallel_loop3A_279 = arith.index_cast %parallel_loop3A_278 : i32 to index
        %parallel_loop3A_280 = arith.constant 0 : index
        %parallel_loop3A_281 = tpu.vector_load %arg8[%parallel_loop3A_279, %parallel_loop3A_280] {strides = array<i32>} : memref<264x64xf32, #tpu.memory_space<vmem>>, vector<1x16xf32>,
        %parallel_loop3A_282 = vector.shape_cast %parallel_loop3A_281 : vector<1x16xf32> to vector<16xf32>
        %parallel_loop3A_283 = arith.addf %parallel_loop3A_277, %parallel_loop3A_282 : vector<16xf32>
        %parallel_loop3A_284 = arith.constant 1 : i32
        %parallel_loop3A_285 = arith.index_cast %parallel_loop3A_284 : i32 to index
        %parallel_loop3A_286 = arith.index_cast %parallel_loop3A_271 : i32 to index
        %parallel_loop3A_287 = arith.constant 0 : index
        %parallel_loop3A_288 = tpu.vector_load %arg7[%parallel_loop3A_285, %parallel_loop3A_286, %parallel_loop3A_287] {strides = array<i32>} : memref<4x64x64xf32, #tpu.memory_space<vmem>>, vector<1x1x16xf32>,
        %parallel_loop3A_289 = vector.shape_cast %parallel_loop3A_288 : vector<1x1x16xf32> to vector<16xf32>
        %parallel_loop3A_290 = vector.shape_cast %parallel_loop3A_283 : vector<16xf32> to vector<1x1x16xf32>
        tpu.vector_store %arg7[%parallel_loop3A_285, %parallel_loop3A_286, %parallel_loop3A_287], %parallel_loop3A_290 {strides = array<i32>} : memref<4x64x64xf32, #tpu.memory_space<vmem>>, vector<1x1x16xf32>,
        %parallel_loop3A_291 = arith.constant 1 : i32
        %parallel_loop3A_292 = arith.index_cast %parallel_loop3A_291 : i32 to index
        %parallel_loop3A_293 = arith.index_cast %parallel_loop3A_271 : i32 to index
        %parallel_loop3A_294 = arith.constant 16 : index
        %parallel_loop3A_295 = tpu.vector_load %arg7[%parallel_loop3A_292, %parallel_loop3A_293, %parallel_loop3A_294] {strides = array<i32>} : memref<4x64x64xf32, #tpu.memory_space<vmem>>, vector<1x1x16xf32>,
        %parallel_loop3A_296 = vector.shape_cast %parallel_loop3A_295 : vector<1x1x16xf32> to vector<16xf32>
        %parallel_loop3A_297 = arith.addi %rem3A_161, %parallel_loop3A_271 : i32
        %parallel_loop3A_298 = arith.index_cast %parallel_loop3A_297 : i32 to index
        %parallel_loop3A_299 = arith.constant 16 : index
        %parallel_loop3A_300 = tpu.vector_load %arg8[%parallel_loop3A_298, %parallel_loop3A_299] {strides = array<i32>} : memref<264x64xf32, #tpu.memory_space<vmem>>, vector<1x16xf32>,
        %parallel_loop3A_301 = vector.shape_cast %parallel_loop3A_300 : vector<1x16xf32> to vector<16xf32>
        %parallel_loop3A_302 = arith.addf %parallel_loop3A_296, %parallel_loop3A_301 : vector<16xf32>
        %parallel_loop3A_303 = arith.constant 1 : i32
        %parallel_loop3A_304 = arith.index_cast %parallel_loop3A_303 : i32 to index
        %parallel_loop3A_305 = arith.index_cast %parallel_loop3A_271 : i32 to index
        %parallel_loop3A_306 = arith.constant 16 : index
        %parallel_loop3A_307 = tpu.vector_load %arg7[%parallel_loop3A_304, %parallel_loop3A_305, %parallel_loop3A_306] {strides = array<i32>} : memref<4x64x64xf32, #tpu.memory_space<vmem>>, vector<1x1x16xf32>,
        %parallel_loop3A_308 = vector.shape_cast %parallel_loop3A_307 : vector<1x1x16xf32> to vector<16xf32>
        %parallel_loop3A_309 = vector.shape_cast %parallel_loop3A_302 : vector<16xf32> to vector<1x1x16xf32>
        tpu.vector_store %arg7[%parallel_loop3A_304, %parallel_loop3A_305, %parallel_loop3A_306], %parallel_loop3A_309 {strides = array<i32>} : memref<4x64x64xf32, #tpu.memory_space<vmem>>, vector<1x1x16xf32>,
        %parallel_loop3A_310 = arith.constant 1 : i32
        %parallel_loop3A_311 = arith.index_cast %parallel_loop3A_310 : i32 to index
        %parallel_loop3A_312 = arith.index_cast %parallel_loop3A_271 : i32 to index
        %parallel_loop3A_313 = arith.constant 32 : index
        %parallel_loop3A_314 = tpu.vector_load %arg7[%parallel_loop3A_311, %parallel_loop3A_312, %parallel_loop3A_313] {strides = array<i32>} : memref<4x64x64xf32, #tpu.memory_space<vmem>>, vector<1x1x16xf32>,
        %parallel_loop3A_315 = vector.shape_cast %parallel_loop3A_314 : vector<1x1x16xf32> to vector<16xf32>
        %parallel_loop3A_316 = arith.addi %rem3A_161, %parallel_loop3A_271 : i32
        %parallel_loop3A_317 = arith.index_cast %parallel_loop3A_316 : i32 to index
        %parallel_loop3A_318 = arith.constant 32 : index
        %parallel_loop3A_319 = tpu.vector_load %arg8[%parallel_loop3A_317, %parallel_loop3A_318] {strides = array<i32>} : memref<264x64xf32, #tpu.memory_space<vmem>>, vector<1x16xf32>,
        %parallel_loop3A_320 = vector.shape_cast %parallel_loop3A_319 : vector<1x16xf32> to vector<16xf32>
        %parallel_loop3A_321 = arith.addf %parallel_loop3A_315, %parallel_loop3A_320 : vector<16xf32>
        %parallel_loop3A_322 = arith.constant 1 : i32
        %parallel_loop3A_323 = arith.index_cast %parallel_loop3A_322 : i32 to index
        %parallel_loop3A_324 = arith.index_cast %parallel_loop3A_271 : i32 to index
        %parallel_loop3A_325 = arith.constant 32 : index
        %parallel_loop3A_326 = tpu.vector_load %arg7[%parallel_loop3A_323, %parallel_loop3A_324, %parallel_loop3A_325] {strides = array<i32>} : memref<4x64x64xf32, #tpu.memory_space<vmem>>, vector<1x1x16xf32>,
        %parallel_loop3A_327 = vector.shape_cast %parallel_loop3A_326 : vector<1x1x16xf32> to vector<16xf32>
        %parallel_loop3A_328 = vector.shape_cast %parallel_loop3A_321 : vector<16xf32> to vector<1x1x16xf32>
        tpu.vector_store %arg7[%parallel_loop3A_323, %parallel_loop3A_324, %parallel_loop3A_325], %parallel_loop3A_328 {strides = array<i32>} : memref<4x64x64xf32, #tpu.memory_space<vmem>>, vector<1x1x16xf32>,
        %parallel_loop3A_329 = arith.constant 1 : i32
        %parallel_loop3A_330 = arith.index_cast %parallel_loop3A_329 : i32 to index
        %parallel_loop3A_331 = arith.index_cast %parallel_loop3A_271 : i32 to index
        %parallel_loop3A_332 = arith.constant 48 : index
        %parallel_loop3A_333 = tpu.vector_load %arg7[%parallel_loop3A_330, %parallel_loop3A_331, %parallel_loop3A_332] {strides = array<i32>} : memref<4x64x64xf32, #tpu.memory_space<vmem>>, vector<1x1x16xf32>,
        %parallel_loop3A_334 = vector.shape_cast %parallel_loop3A_333 : vector<1x1x16xf32> to vector<16xf32>
        %parallel_loop3A_335 = arith.addi %rem3A_161, %parallel_loop3A_271 : i32
        %parallel_loop3A_336 = arith.index_cast %parallel_loop3A_335 : i32 to index
        %parallel_loop3A_337 = arith.constant 48 : index
        %parallel_loop3A_338 = tpu.vector_load %arg8[%parallel_loop3A_336, %parallel_loop3A_337] {strides = array<i32>} : memref<264x64xf32, #tpu.memory_space<vmem>>, vector<1x16xf32>,
        %parallel_loop3A_339 = vector.shape_cast %parallel_loop3A_338 : vector<1x16xf32> to vector<16xf32>
        %parallel_loop3A_340 = arith.addf %parallel_loop3A_334, %parallel_loop3A_339 : vector<16xf32>
        %parallel_loop3A_341 = arith.constant 1 : i32
        %parallel_loop3A_342 = arith.index_cast %parallel_loop3A_341 : i32 to index
        %parallel_loop3A_343 = arith.index_cast %parallel_loop3A_271 : i32 to index
        %parallel_loop3A_344 = arith.constant 48 : index
        %parallel_loop3A_345 = tpu.vector_load %arg7[%parallel_loop3A_342, %parallel_loop3A_343, %parallel_loop3A_344] {strides = array<i32>} : memref<4x64x64xf32, #tpu.memory_space<vmem>>, vector<1x1x16xf32>,
        %parallel_loop3A_346 = vector.shape_cast %parallel_loop3A_345 : vector<1x1x16xf32> to vector<16xf32>
        %parallel_loop3A_347 = vector.shape_cast %parallel_loop3A_340 : vector<16xf32> to vector<1x1x16xf32>
        tpu.vector_store %arg7[%parallel_loop3A_342, %parallel_loop3A_343, %parallel_loop3A_344], %parallel_loop3A_347 {strides = array<i32>} : memref<4x64x64xf32, #tpu.memory_space<vmem>>, vector<1x1x16xf32>,
      } {sc.loop_unroll_factor = 8 : i64, sc.parallel_access}
      %mul3A_165 = arith.constant 64 : i32
      %mul3A_166 = arith.muli %add3A_137, %mul3A_165 : i32
      %add3A_167 = arith.addi %mul3A_2, %mul3A_166 : i32
      %dma_start3A_168 = arith.constant 1 : i32
      %dma_start3A_169 = arith.constant 0 : i32
      %dma_start3A_170 = arith.constant 0 : i32
      %dma_start3A_171 = tpu.memref_slice %arg7[%dma_start3A_168, %dma_start3A_169, %dma_start3A_170] : memref<4x64x64xf32, #tpu.memory_space<vmem>> -> memref<1x64x64xf32, #tpu.memory_space<vmem>>
      %dma_start3A_172 = tpu.memref_squeeze %dma_start3A_171 : memref<1x64x64xf32, #tpu.memory_space<vmem>> -> memref<64x64xf32, #tpu.memory_space<vmem>>
      %dma_start3A_173 = arith.constant 0 : i32
      %dma_start3A_174 = tpu.memref_slice %arg5[%add3A_167, %dma_start3A_173] : memref<204800x64xf32, #tpu.memory_space<hbm>> -> memref<64x64xf32, #tpu.memory_space<hbm>>
      %dma_start3A_175 = arith.constant 0 : i32
      %dma_start3A_176 = tpu.memref_slice %arg5[%add3A_167, %dma_start3A_175] : memref<204800x64xf32, #tpu.memory_space<hbm>> -> memref<64x64xf32, #tpu.memory_space<hbm>>
      %dma_start3A_177 = arith.constant 0 : i32
      %dma_start3A_178 = arith.constant 0 : i32
      %dma_start3A_179 = tpu.memref_slice %arg7[%dma_start3A_168, %dma_start3A_177, %dma_start3A_178] : memref<4x64x64xf32, #tpu.memory_space<vmem>> -> memref<1x64x64xf32, #tpu.memory_space<vmem>>
      %dma_start3A_180 = tpu.memref_squeeze %dma_start3A_179 : memref<1x64x64xf32, #tpu.memory_space<vmem>> -> memref<64x64xf32, #tpu.memory_space<vmem>>
      tpu.enqueue_dma source(%dma_start3A_180 : memref<64x64xf32, #tpu.memory_space<vmem>>) target(%dma_start3A_176 : memref<64x64xf32, #tpu.memory_space<hbm>>) target_semaphore(%arg14 : memref<!tpu.dma_semaphore, #tpu.memory_space<semaphore_mem>>)
      %add3A_181 = arith.constant 2 : i32
      %add3A_182 = arith.addi %mul3A_96, %add3A_181 : i32
      %add3A_183 = arith.constant 4 : i32
      %add3A_184 = arith.addi %add3A_182, %add3A_183 : i32
      %sub3A_185 = arith.constant 1 : i32
      %sub3A_186 = arith.subi %add3A_184, %sub3A_185 : i32
      %lt3A_187 = arith.constant 100 : i32
      %lt3A_188 = arith.cmpi slt, %sub3A_186, %lt3A_187 : i32
      %convert_element_type3A_189 = arith.extui %lt3A_188 : i1 to i32
      %cond3A_190 = arith.constant 0 : i32
      %cond3A_191 = arith.cmpi ne, %convert_element_type3A_189, %cond3A_190 : i32
      scf.if %cond3A_191 {
        %ge3A = arith.constant 4 : i32
        %ge3A_271 = arith.cmpi sge, %sub3A_186, %ge3A : i32
        %convert_element_type3A_272 = arith.extui %ge3A_271 : i1 to i32
        %cond3A_273 = arith.constant 0 : i32
        %cond3A_274 = arith.cmpi ne, %convert_element_type3A_272, %cond3A_273 : i32
        scf.if %cond3A_274 {
          %dma_wait3A_286 = arith.constant 1 : i32
          %dma_wait3A_287 = arith.constant 0 : i32
          %dma_wait3A_288 = arith.constant 0 : i32
          %dma_wait3A_289 = tpu.memref_slice %arg7[%dma_wait3A_286, %dma_wait3A_287, %dma_wait3A_288] : memref<4x64x64xf32, #tpu.memory_space<vmem>> -> memref<1x64x64xf32, #tpu.memory_space<vmem>>
          %dma_wait3A_290 = tpu.memref_squeeze %dma_wait3A_289 : memref<1x64x64xf32, #tpu.memory_space<vmem>> -> memref<64x64xf32, #tpu.memory_space<vmem>>
          %dma_wait3A_291 = arith.constant 0 : i32
          %dma_wait3A_292 = tpu.memref_slice %arg5[%mul3A_2, %dma_wait3A_291] : memref<204800x64xf32, #tpu.memory_space<hbm>> -> memref<64x64xf32, #tpu.memory_space<hbm>>
          %dma_wait3A_293 = arith.constant 0 : i32
          %dma_wait3A_294 = tpu.memref_slice %arg5[%mul3A_2, %dma_wait3A_293] : memref<204800x64xf32, #tpu.memory_space<hbm>> -> memref<64x64xf32, #tpu.memory_space<hbm>>
          %dma_wait3A_295 = arith.constant 0 : i32
          %dma_wait3A_296 = arith.constant 0 : i32
          %dma_wait3A_297 = tpu.memref_slice %arg7[%dma_wait3A_286, %dma_wait3A_295, %dma_wait3A_296] : memref<4x64x64xf32, #tpu.memory_space<vmem>> -> memref<1x64x64xf32, #tpu.memory_space<vmem>>
          %dma_wait3A_298 = tpu.memref_squeeze %dma_wait3A_297 : memref<1x64x64xf32, #tpu.memory_space<vmem>> -> memref<64x64xf32, #tpu.memory_space<vmem>>
          tpu.wait_dma2 semaphore(%arg14 : memref<!tpu.dma_semaphore, #tpu.memory_space<semaphore_mem>>) src(%dma_wait3A_298 : memref<64x64xf32, #tpu.memory_space<vmem>>) dst(%dma_wait3A_294 : memref<64x64xf32, #tpu.memory_space<hbm>>)
        } else {
        }
        %dma_start3A_275 = arith.constant 1 : i32
        %dma_start3A_276 = arith.constant 0 : i32
        %dma_start3A_277 = arith.constant 0 : i32
        %dma_start3A_278 = tpu.memref_slice %arg7[%dma_start3A_275, %dma_start3A_276, %dma_start3A_277] : memref<4x64x64xf32, #tpu.memory_space<vmem>> -> memref<1x64x64xf32, #tpu.memory_space<vmem>>
        %dma_start3A_279 = tpu.memref_squeeze %dma_start3A_278 : memref<1x64x64xf32, #tpu.memory_space<vmem>> -> memref<64x64xf32, #tpu.memory_space<vmem>>
        %dma_start3A_280 = arith.constant 0 : i32
        %dma_start3A_281 = tpu.memref_slice %arg6[%sub3A_186, %dma_start3A_280] : memref<100x64xi32, #tpu.memory_space<vmem>> -> memref<1x64xi32, #tpu.memory_space<vmem>>
        %dma_start3A_282 = tpu.memref_squeeze %dma_start3A_281 : memref<1x64xi32, #tpu.memory_space<vmem>> -> memref<64xi32, #tpu.memory_space<vmem>>
        %dma_start3A_283 = arith.constant 0 : i32
        %dma_start3A_284 = arith.constant 0 : i32
        %dma_start3A_285 = tpu.memref_slice %arg3[%dma_start3A_283, %dma_start3A_284] : memref<1000000x64xf32, #tpu.memory_space<hbm>> -> memref<1000000x64xf32, #tpu.memory_space<hbm>>
        tpu.enqueue_indirect_dma source(%dma_start3A_285 : memref<1000000x64xf32, #tpu.memory_space<hbm>>) target(%dma_start3A_279 : memref<64x64xf32, #tpu.memory_space<vmem>>) offsets(%dma_start3A_282 : memref<64xi32, #tpu.memory_space<vmem>>) semaphore(%arg10 : memref<!tpu.dma_semaphore, #tpu.memory_space<semaphore_mem>>)
      } else {
      }
      %dma_wait3A_192 = arith.constant 2 : i32
      %dma_wait3A_193 = arith.constant 0 : i32
      %dma_wait3A_194 = arith.constant 0 : i32
      %dma_wait3A_195 = tpu.memref_slice %arg7[%dma_wait3A_192, %dma_wait3A_193, %dma_wait3A_194] : memref<4x64x64xf32, #tpu.memory_space<vmem>> -> memref<1x64x64xf32, #tpu.memory_space<vmem>>
      %dma_wait3A_196 = tpu.memref_squeeze %dma_wait3A_195 : memref<1x64x64xf32, #tpu.memory_space<vmem>> -> memref<64x64xf32, #tpu.memory_space<vmem>>
      %dma_wait3A_197 = arith.constant 0 : i32
      %dma_wait3A_198 = tpu.memref_slice %arg6[%add3A_182, %dma_wait3A_197] : memref<100x64xi32, #tpu.memory_space<vmem>> -> memref<1x64xi32, #tpu.memory_space<vmem>>
      %dma_wait3A_199 = tpu.memref_squeeze %dma_wait3A_198 : memref<1x64xi32, #tpu.memory_space<vmem>> -> memref<64xi32, #tpu.memory_space<vmem>>
      %dma_wait3A_200 = arith.constant 0 : i32
      %dma_wait3A_201 = arith.constant 0 : i32
      %dma_wait3A_202 = tpu.memref_slice %arg3[%dma_wait3A_200, %dma_wait3A_201] : memref<1000000x64xf32, #tpu.memory_space<hbm>> -> memref<1000000x64xf32, #tpu.memory_space<hbm>>
      tpu.wait_indirect_dma semaphore(%arg11 : memref<!tpu.dma_semaphore, #tpu.memory_space<semaphore_mem>>) src(%dma_wait3A_202 : memref<1000000x64xf32, #tpu.memory_space<hbm>>) dst(%dma_wait3A_196 : memref<64x64xf32, #tpu.memory_space<vmem>>)
      %mul3A_203 = arith.constant 64 : i32
      %mul3A_204 = arith.muli %add3A_182, %mul3A_203 : i32
      %rem3A_205 = arith.constant 200 : i32
      %rem3A_206 = arith.remsi %mul3A_204, %rem3A_205 : i32
      %parallel_loop3A_207 = arith.constant 0 : i32
      %parallel_loop3A_208 = arith.constant 64 : i32
      %parallel_loop3A_209 = arith.constant 1 : i32
      scf.for %parallel_loop3A_271 = %parallel_loop3A_207 to %parallel_loop3A_208 step %parallel_loop3A_209  : i32 {
        %parallel_loop3A_272 = arith.constant 2 : i32
        %parallel_loop3A_273 = arith.index_cast %parallel_loop3A_272 : i32 to index
        %parallel_loop3A_274 = arith.index_cast %parallel_loop3A_271 : i32 to index
        %parallel_loop3A_275 = arith.constant 0 : index
        %parallel_loop3A_276 = tpu.vector_load %arg7[%parallel_loop3A_273, %parallel_loop3A_274, %parallel_loop3A_275] {strides = array<i32>} : memref<4x64x64xf32, #tpu.memory_space<vmem>>, vector<1x1x16xf32>,
        %parallel_loop3A_277 = vector.shape_cast %parallel_loop3A_276 : vector<1x1x16xf32> to vector<16xf32>
        %parallel_loop3A_278 = arith.addi %rem3A_206, %parallel_loop3A_271 : i32
        %parallel_loop3A_279 = arith.index_cast %parallel_loop3A_278 : i32 to index
        %parallel_loop3A_280 = arith.constant 0 : index
        %parallel_loop3A_281 = tpu.vector_load %arg8[%parallel_loop3A_279, %parallel_loop3A_280] {strides = array<i32>} : memref<264x64xf32, #tpu.memory_space<vmem>>, vector<1x16xf32>,
        %parallel_loop3A_282 = vector.shape_cast %parallel_loop3A_281 : vector<1x16xf32> to vector<16xf32>
        %parallel_loop3A_283 = arith.addf %parallel_loop3A_277, %parallel_loop3A_282 : vector<16xf32>
        %parallel_loop3A_284 = arith.constant 2 : i32
        %parallel_loop3A_285 = arith.index_cast %parallel_loop3A_284 : i32 to index
        %parallel_loop3A_286 = arith.index_cast %parallel_loop3A_271 : i32 to index
        %parallel_loop3A_287 = arith.constant 0 : index
        %parallel_loop3A_288 = tpu.vector_load %arg7[%parallel_loop3A_285, %parallel_loop3A_286, %parallel_loop3A_287] {strides = array<i32>} : memref<4x64x64xf32, #tpu.memory_space<vmem>>, vector<1x1x16xf32>,
        %parallel_loop3A_289 = vector.shape_cast %parallel_loop3A_288 : vector<1x1x16xf32> to vector<16xf32>
        %parallel_loop3A_290 = vector.shape_cast %parallel_loop3A_283 : vector<16xf32> to vector<1x1x16xf32>
        tpu.vector_store %arg7[%parallel_loop3A_285, %parallel_loop3A_286, %parallel_loop3A_287], %parallel_loop3A_290 {strides = array<i32>} : memref<4x64x64xf32, #tpu.memory_space<vmem>>, vector<1x1x16xf32>,
        %parallel_loop3A_291 = arith.constant 2 : i32
        %parallel_loop3A_292 = arith.index_cast %parallel_loop3A_291 : i32 to index
        %parallel_loop3A_293 = arith.index_cast %parallel_loop3A_271 : i32 to index
        %parallel_loop3A_294 = arith.constant 16 : index
        %parallel_loop3A_295 = tpu.vector_load %arg7[%parallel_loop3A_292, %parallel_loop3A_293, %parallel_loop3A_294] {strides = array<i32>} : memref<4x64x64xf32, #tpu.memory_space<vmem>>, vector<1x1x16xf32>,
        %parallel_loop3A_296 = vector.shape_cast %parallel_loop3A_295 : vector<1x1x16xf32> to vector<16xf32>
        %parallel_loop3A_297 = arith.addi %rem3A_206, %parallel_loop3A_271 : i32
        %parallel_loop3A_298 = arith.index_cast %parallel_loop3A_297 : i32 to index
        %parallel_loop3A_299 = arith.constant 16 : index
        %parallel_loop3A_300 = tpu.vector_load %arg8[%parallel_loop3A_298, %parallel_loop3A_299] {strides = array<i32>} : memref<264x64xf32, #tpu.memory_space<vmem>>, vector<1x16xf32>,
        %parallel_loop3A_301 = vector.shape_cast %parallel_loop3A_300 : vector<1x16xf32> to vector<16xf32>
        %parallel_loop3A_302 = arith.addf %parallel_loop3A_296, %parallel_loop3A_301 : vector<16xf32>
        %parallel_loop3A_303 = arith.constant 2 : i32
        %parallel_loop3A_304 = arith.index_cast %parallel_loop3A_303 : i32 to index
        %parallel_loop3A_305 = arith.index_cast %parallel_loop3A_271 : i32 to index
        %parallel_loop3A_306 = arith.constant 16 : index
        %parallel_loop3A_307 = tpu.vector_load %arg7[%parallel_loop3A_304, %parallel_loop3A_305, %parallel_loop3A_306] {strides = array<i32>} : memref<4x64x64xf32, #tpu.memory_space<vmem>>, vector<1x1x16xf32>,
        %parallel_loop3A_308 = vector.shape_cast %parallel_loop3A_307 : vector<1x1x16xf32> to vector<16xf32>
        %parallel_loop3A_309 = vector.shape_cast %parallel_loop3A_302 : vector<16xf32> to vector<1x1x16xf32>
        tpu.vector_store %arg7[%parallel_loop3A_304, %parallel_loop3A_305, %parallel_loop3A_306], %parallel_loop3A_309 {strides = array<i32>} : memref<4x64x64xf32, #tpu.memory_space<vmem>>, vector<1x1x16xf32>,
        %parallel_loop3A_310 = arith.constant 2 : i32
        %parallel_loop3A_311 = arith.index_cast %parallel_loop3A_310 : i32 to index
        %parallel_loop3A_312 = arith.index_cast %parallel_loop3A_271 : i32 to index
        %parallel_loop3A_313 = arith.constant 32 : index
        %parallel_loop3A_314 = tpu.vector_load %arg7[%parallel_loop3A_311, %parallel_loop3A_312, %parallel_loop3A_313] {strides = array<i32>} : memref<4x64x64xf32, #tpu.memory_space<vmem>>, vector<1x1x16xf32>,
        %parallel_loop3A_315 = vector.shape_cast %parallel_loop3A_314 : vector<1x1x16xf32> to vector<16xf32>
        %parallel_loop3A_316 = arith.addi %rem3A_206, %parallel_loop3A_271 : i32
        %parallel_loop3A_317 = arith.index_cast %parallel_loop3A_316 : i32 to index
        %parallel_loop3A_318 = arith.constant 32 : index
        %parallel_loop3A_319 = tpu.vector_load %arg8[%parallel_loop3A_317, %parallel_loop3A_318] {strides = array<i32>} : memref<264x64xf32, #tpu.memory_space<vmem>>, vector<1x16xf32>,
        %parallel_loop3A_320 = vector.shape_cast %parallel_loop3A_319 : vector<1x16xf32> to vector<16xf32>
        %parallel_loop3A_321 = arith.addf %parallel_loop3A_315, %parallel_loop3A_320 : vector<16xf32>
        %parallel_loop3A_322 = arith.constant 2 : i32
        %parallel_loop3A_323 = arith.index_cast %parallel_loop3A_322 : i32 to index
        %parallel_loop3A_324 = arith.index_cast %parallel_loop3A_271 : i32 to index
        %parallel_loop3A_325 = arith.constant 32 : index
        %parallel_loop3A_326 = tpu.vector_load %arg7[%parallel_loop3A_323, %parallel_loop3A_324, %parallel_loop3A_325] {strides = array<i32>} : memref<4x64x64xf32, #tpu.memory_space<vmem>>, vector<1x1x16xf32>,
        %parallel_loop3A_327 = vector.shape_cast %parallel_loop3A_326 : vector<1x1x16xf32> to vector<16xf32>
        %parallel_loop3A_328 = vector.shape_cast %parallel_loop3A_321 : vector<16xf32> to vector<1x1x16xf32>
        tpu.vector_store %arg7[%parallel_loop3A_323, %parallel_loop3A_324, %parallel_loop3A_325], %parallel_loop3A_328 {strides = array<i32>} : memref<4x64x64xf32, #tpu.memory_space<vmem>>, vector<1x1x16xf32>,
        %parallel_loop3A_329 = arith.constant 2 : i32
        %parallel_loop3A_330 = arith.index_cast %parallel_loop3A_329 : i32 to index
        %parallel_loop3A_331 = arith.index_cast %parallel_loop3A_271 : i32 to index
        %parallel_loop3A_332 = arith.constant 48 : index
        %parallel_loop3A_333 = tpu.vector_load %arg7[%parallel_loop3A_330, %parallel_loop3A_331, %parallel_loop3A_332] {strides = array<i32>} : memref<4x64x64xf32, #tpu.memory_space<vmem>>, vector<1x1x16xf32>,
        %parallel_loop3A_334 = vector.shape_cast %parallel_loop3A_333 : vector<1x1x16xf32> to vector<16xf32>
        %parallel_loop3A_335 = arith.addi %rem3A_206, %parallel_loop3A_271 : i32
        %parallel_loop3A_336 = arith.index_cast %parallel_loop3A_335 : i32 to index
        %parallel_loop3A_337 = arith.constant 48 : index
        %parallel_loop3A_338 = tpu.vector_load %arg8[%parallel_loop3A_336, %parallel_loop3A_337] {strides = array<i32>} : memref<264x64xf32, #tpu.memory_space<vmem>>, vector<1x16xf32>,
        %parallel_loop3A_339 = vector.shape_cast %parallel_loop3A_338 : vector<1x16xf32> to vector<16xf32>
        %parallel_loop3A_340 = arith.addf %parallel_loop3A_334, %parallel_loop3A_339 : vector<16xf32>
        %parallel_loop3A_341 = arith.constant 2 : i32
        %parallel_loop3A_342 = arith.index_cast %parallel_loop3A_341 : i32 to index
        %parallel_loop3A_343 = arith.index_cast %parallel_loop3A_271 : i32 to index
        %parallel_loop3A_344 = arith.constant 48 : index
        %parallel_loop3A_345 = tpu.vector_load %arg7[%parallel_loop3A_342, %parallel_loop3A_343, %parallel_loop3A_344] {strides = array<i32>} : memref<4x64x64xf32, #tpu.memory_space<vmem>>, vector<1x1x16xf32>,
        %parallel_loop3A_346 = vector.shape_cast %parallel_loop3A_345 : vector<1x1x16xf32> to vector<16xf32>
        %parallel_loop3A_347 = vector.shape_cast %parallel_loop3A_340 : vector<16xf32> to vector<1x1x16xf32>
        tpu.vector_store %arg7[%parallel_loop3A_342, %parallel_loop3A_343, %parallel_loop3A_344], %parallel_loop3A_347 {strides = array<i32>} : memref<4x64x64xf32, #tpu.memory_space<vmem>>, vector<1x1x16xf32>,
      } {sc.loop_unroll_factor = 8 : i64, sc.parallel_access}
      %mul3A_210 = arith.constant 64 : i32
      %mul3A_211 = arith.muli %add3A_182, %mul3A_210 : i32
      %add3A_212 = arith.addi %mul3A_2, %mul3A_211 : i32
      %dma_start3A_213 = arith.constant 2 : i32
      %dma_start3A_214 = arith.constant 0 : i32
      %dma_start3A_215 = arith.constant 0 : i32
      %dma_start3A_216 = tpu.memref_slice %arg7[%dma_start3A_213, %dma_start3A_214, %dma_start3A_215] : memref<4x64x64xf32, #tpu.memory_space<vmem>> -> memref<1x64x64xf32, #tpu.memory_space<vmem>>
      %dma_start3A_217 = tpu.memref_squeeze %dma_start3A_216 : memref<1x64x64xf32, #tpu.memory_space<vmem>> -> memref<64x64xf32, #tpu.memory_space<vmem>>
      %dma_start3A_218 = arith.constant 0 : i32
      %dma_start3A_219 = tpu.memref_slice %arg5[%add3A_212, %dma_start3A_218] : memref<204800x64xf32, #tpu.memory_space<hbm>> -> memref<64x64xf32, #tpu.memory_space<hbm>>
      %dma_start3A_220 = arith.constant 0 : i32
      %dma_start3A_221 = tpu.memref_slice %arg5[%add3A_212, %dma_start3A_220] : memref<204800x64xf32, #tpu.memory_space<hbm>> -> memref<64x64xf32, #tpu.memory_space<hbm>>
      %dma_start3A_222 = arith.constant 0 : i32
      %dma_start3A_223 = arith.constant 0 : i32
      %dma_start3A_224 = tpu.memref_slice %arg7[%dma_start3A_213, %dma_start3A_222, %dma_start3A_223] : memref<4x64x64xf32, #tpu.memory_space<vmem>> -> memref<1x64x64xf32, #tpu.memory_space<vmem>>
      %dma_start3A_225 = tpu.memref_squeeze %dma_start3A_224 : memref<1x64x64xf32, #tpu.memory_space<vmem>> -> memref<64x64xf32, #tpu.memory_space<vmem>>
      tpu.enqueue_dma source(%dma_start3A_225 : memref<64x64xf32, #tpu.memory_space<vmem>>) target(%dma_start3A_221 : memref<64x64xf32, #tpu.memory_space<hbm>>) target_semaphore(%arg15 : memref<!tpu.dma_semaphore, #tpu.memory_space<semaphore_mem>>)
      %add3A_226 = arith.constant 3 : i32
      %add3A_227 = arith.addi %mul3A_96, %add3A_226 : i32
      %add3A_228 = arith.constant 4 : i32
      %add3A_229 = arith.addi %add3A_227, %add3A_228 : i32
      %sub3A_230 = arith.constant 1 : i32
      %sub3A_231 = arith.subi %add3A_229, %sub3A_230 : i32
      %lt3A_232 = arith.constant 100 : i32
      %lt3A_233 = arith.cmpi slt, %sub3A_231, %lt3A_232 : i32
      %convert_element_type3A_234 = arith.extui %lt3A_233 : i1 to i32
      %cond3A_235 = arith.constant 0 : i32
      %cond3A_236 = arith.cmpi ne, %convert_element_type3A_234, %cond3A_235 : i32
      scf.if %cond3A_236 {
        %ge3A = arith.constant 4 : i32
        %ge3A_271 = arith.cmpi sge, %sub3A_231, %ge3A : i32
        %convert_element_type3A_272 = arith.extui %ge3A_271 : i1 to i32
        %cond3A_273 = arith.constant 0 : i32
        %cond3A_274 = arith.cmpi ne, %convert_element_type3A_272, %cond3A_273 : i32
        scf.if %cond3A_274 {
          %dma_wait3A_286 = arith.constant 2 : i32
          %dma_wait3A_287 = arith.constant 0 : i32
          %dma_wait3A_288 = arith.constant 0 : i32
          %dma_wait3A_289 = tpu.memref_slice %arg7[%dma_wait3A_286, %dma_wait3A_287, %dma_wait3A_288] : memref<4x64x64xf32, #tpu.memory_space<vmem>> -> memref<1x64x64xf32, #tpu.memory_space<vmem>>
          %dma_wait3A_290 = tpu.memref_squeeze %dma_wait3A_289 : memref<1x64x64xf32, #tpu.memory_space<vmem>> -> memref<64x64xf32, #tpu.memory_space<vmem>>
          %dma_wait3A_291 = arith.constant 0 : i32
          %dma_wait3A_292 = tpu.memref_slice %arg5[%mul3A_2, %dma_wait3A_291] : memref<204800x64xf32, #tpu.memory_space<hbm>> -> memref<64x64xf32, #tpu.memory_space<hbm>>
          %dma_wait3A_293 = arith.constant 0 : i32
          %dma_wait3A_294 = tpu.memref_slice %arg5[%mul3A_2, %dma_wait3A_293] : memref<204800x64xf32, #tpu.memory_space<hbm>> -> memref<64x64xf32, #tpu.memory_space<hbm>>
          %dma_wait3A_295 = arith.constant 0 : i32
          %dma_wait3A_296 = arith.constant 0 : i32
          %dma_wait3A_297 = tpu.memref_slice %arg7[%dma_wait3A_286, %dma_wait3A_295, %dma_wait3A_296] : memref<4x64x64xf32, #tpu.memory_space<vmem>> -> memref<1x64x64xf32, #tpu.memory_space<vmem>>
          %dma_wait3A_298 = tpu.memref_squeeze %dma_wait3A_297 : memref<1x64x64xf32, #tpu.memory_space<vmem>> -> memref<64x64xf32, #tpu.memory_space<vmem>>
          tpu.wait_dma2 semaphore(%arg15 : memref<!tpu.dma_semaphore, #tpu.memory_space<semaphore_mem>>) src(%dma_wait3A_298 : memref<64x64xf32, #tpu.memory_space<vmem>>) dst(%dma_wait3A_294 : memref<64x64xf32, #tpu.memory_space<hbm>>)
        } else {
        }
        %dma_start3A_275 = arith.constant 2 : i32
        %dma_start3A_276 = arith.constant 0 : i32
        %dma_start3A_277 = arith.constant 0 : i32
        %dma_start3A_278 = tpu.memref_slice %arg7[%dma_start3A_275, %dma_start3A_276, %dma_start3A_277] : memref<4x64x64xf32, #tpu.memory_space<vmem>> -> memref<1x64x64xf32, #tpu.memory_space<vmem>>
        %dma_start3A_279 = tpu.memref_squeeze %dma_start3A_278 : memref<1x64x64xf32, #tpu.memory_space<vmem>> -> memref<64x64xf32, #tpu.memory_space<vmem>>
        %dma_start3A_280 = arith.constant 0 : i32
        %dma_start3A_281 = tpu.memref_slice %arg6[%sub3A_231, %dma_start3A_280] : memref<100x64xi32, #tpu.memory_space<vmem>> -> memref<1x64xi32, #tpu.memory_space<vmem>>
        %dma_start3A_282 = tpu.memref_squeeze %dma_start3A_281 : memref<1x64xi32, #tpu.memory_space<vmem>> -> memref<64xi32, #tpu.memory_space<vmem>>
        %dma_start3A_283 = arith.constant 0 : i32
        %dma_start3A_284 = arith.constant 0 : i32
        %dma_start3A_285 = tpu.memref_slice %arg3[%dma_start3A_283, %dma_start3A_284] : memref<1000000x64xf32, #tpu.memory_space<hbm>> -> memref<1000000x64xf32, #tpu.memory_space<hbm>>
        tpu.enqueue_indirect_dma source(%dma_start3A_285 : memref<1000000x64xf32, #tpu.memory_space<hbm>>) target(%dma_start3A_279 : memref<64x64xf32, #tpu.memory_space<vmem>>) offsets(%dma_start3A_282 : memref<64xi32, #tpu.memory_space<vmem>>) semaphore(%arg11 : memref<!tpu.dma_semaphore, #tpu.memory_space<semaphore_mem>>)
      } else {
      }
      %dma_wait3A_237 = arith.constant 3 : i32
      %dma_wait3A_238 = arith.constant 0 : i32
      %dma_wait3A_239 = arith.constant 0 : i32
      %dma_wait3A_240 = tpu.memref_slice %arg7[%dma_wait3A_237, %dma_wait3A_238, %dma_wait3A_239] : memref<4x64x64xf32, #tpu.memory_space<vmem>> -> memref<1x64x64xf32, #tpu.memory_space<vmem>>
      %dma_wait3A_241 = tpu.memref_squeeze %dma_wait3A_240 : memref<1x64x64xf32, #tpu.memory_space<vmem>> -> memref<64x64xf32, #tpu.memory_space<vmem>>
      %dma_wait3A_242 = arith.constant 0 : i32
      %dma_wait3A_243 = tpu.memref_slice %arg6[%add3A_227, %dma_wait3A_242] : memref<100x64xi32, #tpu.memory_space<vmem>> -> memref<1x64xi32, #tpu.memory_space<vmem>>
      %dma_wait3A_244 = tpu.memref_squeeze %dma_wait3A_243 : memref<1x64xi32, #tpu.memory_space<vmem>> -> memref<64xi32, #tpu.memory_space<vmem>>
      %dma_wait3A_245 = arith.constant 0 : i32
      %dma_wait3A_246 = arith.constant 0 : i32
      %dma_wait3A_247 = tpu.memref_slice %arg3[%dma_wait3A_245, %dma_wait3A_246] : memref<1000000x64xf32, #tpu.memory_space<hbm>> -> memref<1000000x64xf32, #tpu.memory_space<hbm>>
      tpu.wait_indirect_dma semaphore(%arg12 : memref<!tpu.dma_semaphore, #tpu.memory_space<semaphore_mem>>) src(%dma_wait3A_247 : memref<1000000x64xf32, #tpu.memory_space<hbm>>) dst(%dma_wait3A_241 : memref<64x64xf32, #tpu.memory_space<vmem>>)
      %mul3A_248 = arith.constant 64 : i32
      %mul3A_249 = arith.muli %add3A_227, %mul3A_248 : i32
      %rem3A_250 = arith.constant 200 : i32
      %rem3A_251 = arith.remsi %mul3A_249, %rem3A_250 : i32
      %parallel_loop3A_252 = arith.constant 0 : i32
      %parallel_loop3A_253 = arith.constant 64 : i32
      %parallel_loop3A_254 = arith.constant 1 : i32
      scf.for %parallel_loop3A_271 = %parallel_loop3A_252 to %parallel_loop3A_253 step %parallel_loop3A_254  : i32 {
        %parallel_loop3A_272 = arith.constant 3 : i32
        %parallel_loop3A_273 = arith.index_cast %parallel_loop3A_272 : i32 to index
        %parallel_loop3A_274 = arith.index_cast %parallel_loop3A_271 : i32 to index
        %parallel_loop3A_275 = arith.constant 0 : index
        %parallel_loop3A_276 = tpu.vector_load %arg7[%parallel_loop3A_273, %parallel_loop3A_274, %parallel_loop3A_275] {strides = array<i32>} : memref<4x64x64xf32, #tpu.memory_space<vmem>>, vector<1x1x16xf32>,
        %parallel_loop3A_277 = vector.shape_cast %parallel_loop3A_276 : vector<1x1x16xf32> to vector<16xf32>
        %parallel_loop3A_278 = arith.addi %rem3A_251, %parallel_loop3A_271 : i32
        %parallel_loop3A_279 = arith.index_cast %parallel_loop3A_278 : i32 to index
        %parallel_loop3A_280 = arith.constant 0 : index
        %parallel_loop3A_281 = tpu.vector_load %arg8[%parallel_loop3A_279, %parallel_loop3A_280] {strides = array<i32>} : memref<264x64xf32, #tpu.memory_space<vmem>>, vector<1x16xf32>,
        %parallel_loop3A_282 = vector.shape_cast %parallel_loop3A_281 : vector<1x16xf32> to vector<16xf32>
        %parallel_loop3A_283 = arith.addf %parallel_loop3A_277, %parallel_loop3A_282 : vector<16xf32>
        %parallel_loop3A_284 = arith.constant 3 : i32
        %parallel_loop3A_285 = arith.index_cast %parallel_loop3A_284 : i32 to index
        %parallel_loop3A_286 = arith.index_cast %parallel_loop3A_271 : i32 to index
        %parallel_loop3A_287 = arith.constant 0 : index
        %parallel_loop3A_288 = tpu.vector_load %arg7[%parallel_loop3A_285, %parallel_loop3A_286, %parallel_loop3A_287] {strides = array<i32>} : memref<4x64x64xf32, #tpu.memory_space<vmem>>, vector<1x1x16xf32>,
        %parallel_loop3A_289 = vector.shape_cast %parallel_loop3A_288 : vector<1x1x16xf32> to vector<16xf32>
        %parallel_loop3A_290 = vector.shape_cast %parallel_loop3A_283 : vector<16xf32> to vector<1x1x16xf32>
        tpu.vector_store %arg7[%parallel_loop3A_285, %parallel_loop3A_286, %parallel_loop3A_287], %parallel_loop3A_290 {strides = array<i32>} : memref<4x64x64xf32, #tpu.memory_space<vmem>>, vector<1x1x16xf32>,
        %parallel_loop3A_291 = arith.constant 3 : i32
        %parallel_loop3A_292 = arith.index_cast %parallel_loop3A_291 : i32 to index
        %parallel_loop3A_293 = arith.index_cast %parallel_loop3A_271 : i32 to index
        %parallel_loop3A_294 = arith.constant 16 : index
        %parallel_loop3A_295 = tpu.vector_load %arg7[%parallel_loop3A_292, %parallel_loop3A_293, %parallel_loop3A_294] {strides = array<i32>} : memref<4x64x64xf32, #tpu.memory_space<vmem>>, vector<1x1x16xf32>,
        %parallel_loop3A_296 = vector.shape_cast %parallel_loop3A_295 : vector<1x1x16xf32> to vector<16xf32>
        %parallel_loop3A_297 = arith.addi %rem3A_251, %parallel_loop3A_271 : i32
        %parallel_loop3A_298 = arith.index_cast %parallel_loop3A_297 : i32 to index
        %parallel_loop3A_299 = arith.constant 16 : index
        %parallel_loop3A_300 = tpu.vector_load %arg8[%parallel_loop3A_298, %parallel_loop3A_299] {strides = array<i32>} : memref<264x64xf32, #tpu.memory_space<vmem>>, vector<1x16xf32>,
        %parallel_loop3A_301 = vector.shape_cast %parallel_loop3A_300 : vector<1x16xf32> to vector<16xf32>
        %parallel_loop3A_302 = arith.addf %parallel_loop3A_296, %parallel_loop3A_301 : vector<16xf32>
        %parallel_loop3A_303 = arith.constant 3 : i32
        %parallel_loop3A_304 = arith.index_cast %parallel_loop3A_303 : i32 to index
        %parallel_loop3A_305 = arith.index_cast %parallel_loop3A_271 : i32 to index
        %parallel_loop3A_306 = arith.constant 16 : index
        %parallel_loop3A_307 = tpu.vector_load %arg7[%parallel_loop3A_304, %parallel_loop3A_305, %parallel_loop3A_306] {strides = array<i32>} : memref<4x64x64xf32, #tpu.memory_space<vmem>>, vector<1x1x16xf32>,
        %parallel_loop3A_308 = vector.shape_cast %parallel_loop3A_307 : vector<1x1x16xf32> to vector<16xf32>
        %parallel_loop3A_309 = vector.shape_cast %parallel_loop3A_302 : vector<16xf32> to vector<1x1x16xf32>
        tpu.vector_store %arg7[%parallel_loop3A_304, %parallel_loop3A_305, %parallel_loop3A_306], %parallel_loop3A_309 {strides = array<i32>} : memref<4x64x64xf32, #tpu.memory_space<vmem>>, vector<1x1x16xf32>,
        %parallel_loop3A_310 = arith.constant 3 : i32
        %parallel_loop3A_311 = arith.index_cast %parallel_loop3A_310 : i32 to index
        %parallel_loop3A_312 = arith.index_cast %parallel_loop3A_271 : i32 to index
        %parallel_loop3A_313 = arith.constant 32 : index
        %parallel_loop3A_314 = tpu.vector_load %arg7[%parallel_loop3A_311, %parallel_loop3A_312, %parallel_loop3A_313] {strides = array<i32>} : memref<4x64x64xf32, #tpu.memory_space<vmem>>, vector<1x1x16xf32>,
        %parallel_loop3A_315 = vector.shape_cast %parallel_loop3A_314 : vector<1x1x16xf32> to vector<16xf32>
        %parallel_loop3A_316 = arith.addi %rem3A_251, %parallel_loop3A_271 : i32
        %parallel_loop3A_317 = arith.index_cast %parallel_loop3A_316 : i32 to index
        %parallel_loop3A_318 = arith.constant 32 : index
        %parallel_loop3A_319 = tpu.vector_load %arg8[%parallel_loop3A_317, %parallel_loop3A_318] {strides = array<i32>} : memref<264x64xf32, #tpu.memory_space<vmem>>, vector<1x16xf32>,
        %parallel_loop3A_320 = vector.shape_cast %parallel_loop3A_319 : vector<1x16xf32> to vector<16xf32>
        %parallel_loop3A_321 = arith.addf %parallel_loop3A_315, %parallel_loop3A_320 : vector<16xf32>
        %parallel_loop3A_322 = arith.constant 3 : i32
        %parallel_loop3A_323 = arith.index_cast %parallel_loop3A_322 : i32 to index
        %parallel_loop3A_324 = arith.index_cast %parallel_loop3A_271 : i32 to index
        %parallel_loop3A_325 = arith.constant 32 : index
        %parallel_loop3A_326 = tpu.vector_load %arg7[%parallel_loop3A_323, %parallel_loop3A_324, %parallel_loop3A_325] {strides = array<i32>} : memref<4x64x64xf32, #tpu.memory_space<vmem>>, vector<1x1x16xf32>,
        %parallel_loop3A_327 = vector.shape_cast %parallel_loop3A_326 : vector<1x1x16xf32> to vector<16xf32>
        %parallel_loop3A_328 = vector.shape_cast %parallel_loop3A_321 : vector<16xf32> to vector<1x1x16xf32>
        tpu.vector_store %arg7[%parallel_loop3A_323, %parallel_loop3A_324, %parallel_loop3A_325], %parallel_loop3A_328 {strides = array<i32>} : memref<4x64x64xf32, #tpu.memory_space<vmem>>, vector<1x1x16xf32>,
        %parallel_loop3A_329 = arith.constant 3 : i32
        %parallel_loop3A_330 = arith.index_cast %parallel_loop3A_329 : i32 to index
        %parallel_loop3A_331 = arith.index_cast %parallel_loop3A_271 : i32 to index
        %parallel_loop3A_332 = arith.constant 48 : index
        %parallel_loop3A_333 = tpu.vector_load %arg7[%parallel_loop3A_330, %parallel_loop3A_331, %parallel_loop3A_332] {strides = array<i32>} : memref<4x64x64xf32, #tpu.memory_space<vmem>>, vector<1x1x16xf32>,
        %parallel_loop3A_334 = vector.shape_cast %parallel_loop3A_333 : vector<1x1x16xf32> to vector<16xf32>
        %parallel_loop3A_335 = arith.addi %rem3A_251, %parallel_loop3A_271 : i32
        %parallel_loop3A_336 = arith.index_cast %parallel_loop3A_335 : i32 to index
        %parallel_loop3A_337 = arith.constant 48 : index
        %parallel_loop3A_338 = tpu.vector_load %arg8[%parallel_loop3A_336, %parallel_loop3A_337] {strides = array<i32>} : memref<264x64xf32, #tpu.memory_space<vmem>>, vector<1x16xf32>,
        %parallel_loop3A_339 = vector.shape_cast %parallel_loop3A_338 : vector<1x16xf32> to vector<16xf32>
        %parallel_loop3A_340 = arith.addf %parallel_loop3A_334, %parallel_loop3A_339 : vector<16xf32>
        %parallel_loop3A_341 = arith.constant 3 : i32
        %parallel_loop3A_342 = arith.index_cast %parallel_loop3A_341 : i32 to index
        %parallel_loop3A_343 = arith.index_cast %parallel_loop3A_271 : i32 to index
        %parallel_loop3A_344 = arith.constant 48 : index
        %parallel_loop3A_345 = tpu.vector_load %arg7[%parallel_loop3A_342, %parallel_loop3A_343, %parallel_loop3A_344] {strides = array<i32>} : memref<4x64x64xf32, #tpu.memory_space<vmem>>, vector<1x1x16xf32>,
        %parallel_loop3A_346 = vector.shape_cast %parallel_loop3A_345 : vector<1x1x16xf32> to vector<16xf32>
        %parallel_loop3A_347 = vector.shape_cast %parallel_loop3A_340 : vector<16xf32> to vector<1x1x16xf32>
        tpu.vector_store %arg7[%parallel_loop3A_342, %parallel_loop3A_343, %parallel_loop3A_344], %parallel_loop3A_347 {strides = array<i32>} : memref<4x64x64xf32, #tpu.memory_space<vmem>>, vector<1x1x16xf32>,
      } {sc.loop_unroll_factor = 8 : i64, sc.parallel_access}
      %mul3A_255 = arith.constant 64 : i32
      %mul3A_256 = arith.muli %add3A_227, %mul3A_255 : i32
      %add3A_257 = arith.addi %mul3A_2, %mul3A_256 : i32
      %dma_start3A_258 = arith.constant 3 : i32
      %dma_start3A_259 = arith.constant 0 : i32
      %dma_start3A_260 = arith.constant 0 : i32
      %dma_start3A_261 = tpu.memref_slice %arg7[%dma_start3A_258, %dma_start3A_259, %dma_start3A_260] : memref<4x64x64xf32, #tpu.memory_space<vmem>> -> memref<1x64x64xf32, #tpu.memory_space<vmem>>
      %dma_start3A_262 = tpu.memref_squeeze %dma_start3A_261 : memref<1x64x64xf32, #tpu.memory_space<vmem>> -> memref<64x64xf32, #tpu.memory_space<vmem>>
      %dma_start3A_263 = arith.constant 0 : i32
      %dma_start3A_264 = tpu.memref_slice %arg5[%add3A_257, %dma_start3A_263] : memref<204800x64xf32, #tpu.memory_space<hbm>> -> memref<64x64xf32, #tpu.memory_space<hbm>>
      %dma_start3A_265 = arith.constant 0 : i32
      %dma_start3A_266 = tpu.memref_slice %arg5[%add3A_257, %dma_start3A_265] : memref<204800x64xf32, #tpu.memory_space<hbm>> -> memref<64x64xf32, #tpu.memory_space<hbm>>
      %dma_start3A_267 = arith.constant 0 : i32
      %dma_start3A_268 = arith.constant 0 : i32
      %dma_start3A_269 = tpu.memref_slice %arg7[%dma_start3A_258, %dma_start3A_267, %dma_start3A_268] : memref<4x64x64xf32, #tpu.memory_space<vmem>> -> memref<1x64x64xf32, #tpu.memory_space<vmem>>
      %dma_start3A_270 = tpu.memref_squeeze %dma_start3A_269 : memref<1x64x64xf32, #tpu.memory_space<vmem>> -> memref<64x64xf32, #tpu.memory_space<vmem>>
      tpu.enqueue_dma source(%dma_start3A_270 : memref<64x64xf32, #tpu.memory_space<vmem>>) target(%dma_start3A_266 : memref<64x64xf32, #tpu.memory_space<hbm>>) target_semaphore(%arg16 : memref<!tpu.dma_semaphore, #tpu.memory_space<semaphore_mem>>)
    }
    %scan3A_42 = arith.constant 25 : i32
    %dma_wait3A = arith.constant 0 : i32
    %dma_wait3A_43 = arith.constant 0 : i32
    %dma_wait3A_44 = arith.constant 0 : i32
    %dma_wait3A_45 = tpu.memref_slice %arg7[%dma_wait3A, %dma_wait3A_43, %dma_wait3A_44] : memref<4x64x64xf32, #tpu.memory_space<vmem>> -> memref<1x64x64xf32, #tpu.memory_space<vmem>>
    %dma_wait3A_46 = tpu.memref_squeeze %dma_wait3A_45 : memref<1x64x64xf32, #tpu.memory_space<vmem>> -> memref<64x64xf32, #tpu.memory_space<vmem>>
    %dma_wait3A_47 = arith.constant 0 : i32
    %dma_wait3A_48 = tpu.memref_slice %arg5[%mul3A_2, %dma_wait3A_47] : memref<204800x64xf32, #tpu.memory_space<hbm>> -> memref<64x64xf32, #tpu.memory_space<hbm>>
    %dma_wait3A_49 = arith.constant 0 : i32
    %dma_wait3A_50 = tpu.memref_slice %arg5[%mul3A_2, %dma_wait3A_49] : memref<204800x64xf32, #tpu.memory_space<hbm>> -> memref<64x64xf32, #tpu.memory_space<hbm>>
    %dma_wait3A_51 = arith.constant 0 : i32
    %dma_wait3A_52 = arith.constant 0 : i32
    %dma_wait3A_53 = tpu.memref_slice %arg7[%dma_wait3A, %dma_wait3A_51, %dma_wait3A_52] : memref<4x64x64xf32, #tpu.memory_space<vmem>> -> memref<1x64x64xf32, #tpu.memory_space<vmem>>
    %dma_wait3A_54 = tpu.memref_squeeze %dma_wait3A_53 : memref<1x64x64xf32, #tpu.memory_space<vmem>> -> memref<64x64xf32, #tpu.memory_space<vmem>>
    tpu.wait_dma2 semaphore(%arg13 : memref<!tpu.dma_semaphore, #tpu.memory_space<semaphore_mem>>) src(%dma_wait3A_54 : memref<64x64xf32, #tpu.memory_space<vmem>>) dst(%dma_wait3A_50 : memref<64x64xf32, #tpu.memory_space<hbm>>)
    %dma_wait3A_55 = arith.constant 1 : i32
    %dma_wait3A_56 = arith.constant 0 : i32
    %dma_wait3A_57 = arith.constant 0 : i32
    %dma_wait3A_58 = tpu.memref_slice %arg7[%dma_wait3A_55, %dma_wait3A_56, %dma_wait3A_57] : memref<4x64x64xf32, #tpu.memory_space<vmem>> -> memref<1x64x64xf32, #tpu.memory_space<vmem>>
    %dma_wait3A_59 = tpu.memref_squeeze %dma_wait3A_58 : memref<1x64x64xf32, #tpu.memory_space<vmem>> -> memref<64x64xf32, #tpu.memory_space<vmem>>
    %dma_wait3A_60 = arith.constant 0 : i32
    %dma_wait3A_61 = tpu.memref_slice %arg5[%mul3A_2, %dma_wait3A_60] : memref<204800x64xf32, #tpu.memory_space<hbm>> -> memref<64x64xf32, #tpu.memory_space<hbm>>
    %dma_wait3A_62 = arith.constant 0 : i32
    %dma_wait3A_63 = tpu.memref_slice %arg5[%mul3A_2, %dma_wait3A_62] : memref<204800x64xf32, #tpu.memory_space<hbm>> -> memref<64x64xf32, #tpu.memory_space<hbm>>
    %dma_wait3A_64 = arith.constant 0 : i32
    %dma_wait3A_65 = arith.constant 0 : i32
    %dma_wait3A_66 = tpu.memref_slice %arg7[%dma_wait3A_55, %dma_wait3A_64, %dma_wait3A_65] : memref<4x64x64xf32, #tpu.memory_space<vmem>> -> memref<1x64x64xf32, #tpu.memory_space<vmem>>
    %dma_wait3A_67 = tpu.memref_squeeze %dma_wait3A_66 : memref<1x64x64xf32, #tpu.memory_space<vmem>> -> memref<64x64xf32, #tpu.memory_space<vmem>>
    tpu.wait_dma2 semaphore(%arg14 : memref<!tpu.dma_semaphore, #tpu.memory_space<semaphore_mem>>) src(%dma_wait3A_67 : memref<64x64xf32, #tpu.memory_space<vmem>>) dst(%dma_wait3A_63 : memref<64x64xf32, #tpu.memory_space<hbm>>)
    %dma_wait3A_68 = arith.constant 2 : i32
    %dma_wait3A_69 = arith.constant 0 : i32
    %dma_wait3A_70 = arith.constant 0 : i32
    %dma_wait3A_71 = tpu.memref_slice %arg7[%dma_wait3A_68, %dma_wait3A_69, %dma_wait3A_70] : memref<4x64x64xf32, #tpu.memory_space<vmem>> -> memref<1x64x64xf32, #tpu.memory_space<vmem>>
    %dma_wait3A_72 = tpu.memref_squeeze %dma_wait3A_71 : memref<1x64x64xf32, #tpu.memory_space<vmem>> -> memref<64x64xf32, #tpu.memory_space<vmem>>
    %dma_wait3A_73 = arith.constant 0 : i32
    %dma_wait3A_74 = tpu.memref_slice %arg5[%mul3A_2, %dma_wait3A_73] : memref<204800x64xf32, #tpu.memory_space<hbm>> -> memref<64x64xf32, #tpu.memory_space<hbm>>
    %dma_wait3A_75 = arith.constant 0 : i32
    %dma_wait3A_76 = tpu.memref_slice %arg5[%mul3A_2, %dma_wait3A_75] : memref<204800x64xf32, #tpu.memory_space<hbm>> -> memref<64x64xf32, #tpu.memory_space<hbm>>
    %dma_wait3A_77 = arith.constant 0 : i32
    %dma_wait3A_78 = arith.constant 0 : i32
    %dma_wait3A_79 = tpu.memref_slice %arg7[%dma_wait3A_68, %dma_wait3A_77, %dma_wait3A_78] : memref<4x64x64xf32, #tpu.memory_space<vmem>> -> memref<1x64x64xf32, #tpu.memory_space<vmem>>
    %dma_wait3A_80 = tpu.memref_squeeze %dma_wait3A_79 : memref<1x64x64xf32, #tpu.memory_space<vmem>> -> memref<64x64xf32, #tpu.memory_space<vmem>>
    tpu.wait_dma2 semaphore(%arg15 : memref<!tpu.dma_semaphore, #tpu.memory_space<semaphore_mem>>) src(%dma_wait3A_80 : memref<64x64xf32, #tpu.memory_space<vmem>>) dst(%dma_wait3A_76 : memref<64x64xf32, #tpu.memory_space<hbm>>)
    %dma_wait3A_81 = arith.constant 3 : i32
    %dma_wait3A_82 = arith.constant 0 : i32
    %dma_wait3A_83 = arith.constant 0 : i32
    %dma_wait3A_84 = tpu.memref_slice %arg7[%dma_wait3A_81, %dma_wait3A_82, %dma_wait3A_83] : memref<4x64x64xf32, #tpu.memory_space<vmem>> -> memref<1x64x64xf32, #tpu.memory_space<vmem>>
    %dma_wait3A_85 = tpu.memref_squeeze %dma_wait3A_84 : memref<1x64x64xf32, #tpu.memory_space<vmem>> -> memref<64x64xf32, #tpu.memory_space<vmem>>
    %dma_wait3A_86 = arith.constant 0 : i32
    %dma_wait3A_87 = tpu.memref_slice %arg5[%mul3A_2, %dma_wait3A_86] : memref<204800x64xf32, #tpu.memory_space<hbm>> -> memref<64x64xf32, #tpu.memory_space<hbm>>
    %dma_wait3A_88 = arith.constant 0 : i32
    %dma_wait3A_89 = tpu.memref_slice %arg5[%mul3A_2, %dma_wait3A_88] : memref<204800x64xf32, #tpu.memory_space<hbm>> -> memref<64x64xf32, #tpu.memory_space<hbm>>
    %dma_wait3A_90 = arith.constant 0 : i32
    %dma_wait3A_91 = arith.constant 0 : i32
    %dma_wait3A_92 = tpu.memref_slice %arg7[%dma_wait3A_81, %dma_wait3A_90, %dma_wait3A_91] : memref<4x64x64xf32, #tpu.memory_space<vmem>> -> memref<1x64x64xf32, #tpu.memory_space<vmem>>
    %dma_wait3A_93 = tpu.memref_squeeze %dma_wait3A_92 : memref<1x64x64xf32, #tpu.memory_space<vmem>> -> memref<64x64xf32, #tpu.memory_space<vmem>>
    tpu.wait_dma2 semaphore(%arg16 : memref<!tpu.dma_semaphore, #tpu.memory_space<semaphore_mem>>) src(%dma_wait3A_93 : memref<64x64xf32, #tpu.memory_space<vmem>>) dst(%dma_wait3A_89 : memref<64x64xf32, #tpu.memory_space<hbm>>)
    return
  }
}

</mosaic_0001>

<sc_bundles>
// kernel: kernel.3.cloned.1.call-start
scs
__scs_entry_jumppad:
0x0: {  	(pc) =	sbr.rel $0x88, $3  }
0x1: {  	(tag) =	ssettag $0x0;
	lr =	simm.s32 $0x1  }
0x2: {  	[smem:$0x3F9E] =	sst lr;
	_ =	strace $0xD0000000  }
0x3: {  	_ = 	snop  }
0x4: {  	_ = 	snop  }
0x5: {  	_ = 	snop  }
0x6: {  	_ = 	snop  }
0x7: {  	_ = 	snop  }
__scs_overlays_trampoline_lowered:
0x8: {  	[smem:$0x3FAD] =	sst s0  }
0x9: {  	[smem:$0x3FAE] =	sst s1  }
0xa: {  	[smem:$0x3FAF] =	sst s2  }
0xb: {  	[smem:$0x3FB0] =	sst s3  }
0xc: {  	[smem:$0x3FB1] =	sst s4  }
0xd: {  	[smem:$0x3FB2] =	sst s5  }
0xe: {  	[smem:$0x3FB3] =	sst s6  }
0xf: {  	[smem:$0x3FB4] =	sst s7  }
0x10: {  	[smem:$0x3FB5] =	sst s8  }
0x11: {  	[smem:$0x3FB6] =	sst s9;
	s0 =	simm.s32 @!p0 $0x0  }
0x12: {  	s1 =	sld [smem:$0x3F9C];
	s0 =	simm.s32 @p0 $0x1  }
0x13: {  	[smem:$0x3FB7] =	sst s0;
	s0 =	simm.s32 @!p1 $0x0  }
0x14: {  	s2 =	sld [smem:$0x3F9B];
	s0 =	simm.s32 @p1 $0x1  }
0x15: {  	[smem:$0x3FB8] =	sst s0;
	s0 =	simm.s32 @!p2 $0x0  }
0x16: {  	s3 =	sld [smem:$0x3FDB];
	s0 =	simm.s32 @p2 $0x1  }
0x17: {  	s4 =	simm.s32 $0x1BF5;
	[smem:$0x3FBA] =	sst s0  }
0x18: {  	s0 =	sld [smem:$0x3F9D];
	_ =	swait.ge [sflag:s4], $0x0  }
0x19: {  	s7 =	sld [smem:$0x3F9E]  }
0x1a: {  	s8 =	sadd.s32 $0xFFFFE003, lr  }
0x1b: {  	s9 =	sadd.s32 $0xFFFFFEF7, lr;
	s5 =	simm.s32 $0xFFFFFFFF;
	p2 =	slt.u32 s8, $0xFFFFF086  }
0x1c: {  	p1 =	slt.u32 s9, $0xF7A;
	s5 =	simm.s32 @!p2 $0x0  }
0x1d: {  	s5 =	simm.s32 @p1 $0x1;
	p0 =	seq.s32 s7, s2  }
0x1e: {  	s7 =	smul.u32 @!p0 $0xF7A, s2;
	p2 =	seq.s32 @!p0 s5, $0x0  }
0x1f: {  	s9 =	smul.u32 $0xF7A, s1;
	s8 =	simm.s32 @!p0 $0x1BF5;
	p2 =	por !p2, p0  }
0x20: {  	[sflag:s8] =	ssyncset.s32 @!p0 $0xFFFFF086;
	s6 =	sadd.s32 @!p0 s3, s7;
	s7 =	simm.s32 @!p0 $0x108  }
0x21: {  	s3 =	sadd.s32 s3, s9;
	s6 =	sadd.s32 @!p0 $0x88, s6;
	s7 =	simm.s32 @p2 $0x1082  }
0x22: {  	[simem:s7], [sflag:s8] =	dma.local @!p0 [hbm:s6], $0xF7A  }
0x23: {  	s9 =	sor.u32 $0xD0000000, s2;
	s6 =	simm.s32 $0x108;
	_ =	swait.ge @!p0 [sflag:s8], $0x0  }
0x24: {  	s3 =	sadd.s32 $0x88, s3;
	s6 =	simm.s32 @!p1 $0x1082;
	[sflag:s4] =	ssyncset.s32 $0xFFFFF086  }
0x25: {  	[simem:s6], [sflag:s4] =	dma.local [hbm:s3], $0xF7A  }
0x26: {  	[smem:$0x3F9E] =	sst s1;
	(tag) =	ssettag s2;
	_ =	strace s9  }
0x27: {  	s1 =	sld [smem:$0x3FAE]  }
0x28: {  	s2 =	sld [smem:$0x3FAF]  }
0x29: {  	s4 =	sld [smem:$0x3FB1]  }
0x2a: {  	p0 =	seq.s32 s5, $0x0;
	s5 =	sld [smem:$0x3FB2]  }
0x2b: {  	s6 =	sld [smem:$0x3FB3]  }
0x2c: {  	s7 =	sld [smem:$0x3FB4]  }
0x2d: {  	s3 =	simm.s32 $0x108;
	s8 =	sld [smem:$0x3FB5]  }
0x2e: {  	s3 =	simm.s32 @!p0 $0x1082;
	s9 =	sld [smem:$0x3FB6]  }
0x2f: {  	lr =	sadd.s32 s0, s3;
	s0 =	sld [smem:$0x3FAD]  }
0x30: {  	s3 =	sld [smem:$0x3FB0]  }
0x31: {  	[smem:$0x3FB9] =	sst s10  }
0x32: {  	s10 =	sld [smem:$0x3FB7];
	_ =	sdelay $0x3  }
0x33: {  	p0 =	seq.s32 s10, $0x1;
	s10 =	sld [smem:$0x3FB9];
	_ =	sdelay $0x3  }
0x34: {  	[smem:$0x3FB9] =	sst s10  }
0x35: {  	s10 =	sld [smem:$0x3FB8];
	_ =	sdelay $0x3  }
0x36: {  	p1 =	seq.s32 s10, $0x1;
	s10 =	sld [smem:$0x3FB9];
	_ =	sdelay $0x3  }
0x37: {  	[smem:$0x3FB9] =	sst s10  }
0x38: {  	s10 =	sld [smem:$0x3FBA]  }
0x39: {  	_ = 	snop;
	(pc) =	sbr.ind lr, $3  }
0x3a: {  	_ = 	snop  }
0x3b: {  	_ = 	snop  }
0x3c: {  	p2 =	seq.s32 s10, $0x1;
	s10 =	sld [smem:$0x3FB9]  }
0x3d: {  	_ =	shalt  }
0x3e: {  	_ =	shalt  }
0x3f: {  	_ =	shalt  }
0x40: {  	_ =	shalt  }
0x41: {  	_ =	shalt  }
0x42: {  	_ =	shalt  }
0x43: {  	_ =	shalt  }
0x44: {  	_ =	shalt  }
0x45: {  	_ =	shalt  }
0x46: {  	_ =	shalt  }
0x47: {  	_ =	shalt  }
0x48: {  	_ =	shalt  }
0x49: {  	_ =	shalt  }
0x4a: {  	_ =	shalt  }
0x4b: {  	_ =	shalt  }
0x4c: {  	_ =	shalt  }
0x4d: {  	_ =	shalt  }
0x4e: {  	_ =	shalt  }
0x4f: {  	_ =	shalt  }
0x50: {  	_ =	shalt  }
0x51: {  	_ =	shalt  }
0x52: {  	_ =	shalt  }
0x53: {  	_ =	shalt  }
0x54: {  	_ =	shalt  }
0x55: {  	_ =	shalt  }
0x56: {  	_ =	shalt  }
0x57: {  	_ =	shalt  }
0x58: {  	_ =	shalt  }
0x59: {  	_ =	shalt  }
0x5a: {  	_ =	shalt  }
0x5b: {  	_ =	shalt  }
0x5c: {  	_ =	shalt  }
0x5d: {  	_ =	shalt  }
0x5e: {  	_ =	shalt  }
0x5f: {  	_ =	shalt  }
0x60: {  	_ =	shalt  }
0x61: {  	_ =	shalt  }
0x62: {  	_ =	shalt  }
0x63: {  	_ =	shalt  }
0x64: {  	_ =	shalt  }
0x65: {  	_ =	shalt  }
0x66: {  	_ =	shalt  }
0x67: {  	_ =	shalt  }
0x68: {  	_ =	shalt  }
0x69: {  	_ =	shalt  }
0x6a: {  	_ =	shalt  }
0x6b: {  	_ =	shalt  }
0x6c: {  	_ =	shalt  }
0x6d: {  	_ =	shalt  }
0x6e: {  	_ =	shalt  }
0x6f: {  	_ =	shalt  }
0x70: {  	_ =	shalt  }
0x71: {  	_ =	shalt  }
0x72: {  	_ =	shalt  }
0x73: {  	_ =	shalt  }
0x74: {  	_ =	shalt  }
0x75: {  	_ =	shalt  }
0x76: {  	_ =	shalt  }
0x77: {  	_ =	shalt  }
0x78: {  	_ =	shalt  }
0x79: {  	_ =	shalt  }
0x7a: {  	_ =	shalt  }
0x7b: {  	_ =	shalt  }
0x7c: {  	_ =	shalt  }
0x7d: {  	_ =	shalt  }
0x7e: {  	_ =	shalt  }
0x7f: {  	_ =	shalt  }
0x80: {  	_ =	shalt  }
0x81: {  	_ =	shalt  }
0x82: {  	_ =	shalt  }
0x83: {  	_ =	shalt  }
0x84: {  	_ =	shalt  }
0x85: {  	_ =	shalt  }
0x86: {  	_ =	shalt  }
0x87: {  	_ =	shalt  }
.Lfunc_end0:
.L_simem_size_0:
called_computation.1_lowered:
.L_overlay_start_0:
0x88: {  	s2 =	sld [smem:$0x3FD9]  }
0x89: {  	s3 =	sld [smem:$0x3FFE];
	_ =	sdelay $0x1  }
0x8a: {  	s1 =	srdreg.scid  }
0x8b: {  	s0 =	sand.u32 $0x1, s1  }
0x8c: {  	s17 =	sshll.u32 s0, $0xA;
	s2 =	sadd.s32 s3, s2  }
0x8d: {  	s2 =	sadd.s32 s2, s17  }
0x8e: {  	[smem:$0x3FC5] =	sst s2  }
0x8f: {  	_ = 	snop  }
0x90: {  	s2 =	sld [smem:$0x3FD0];
	(tm) =	ssettm $0x1  }
0x91: {  	s18 =	sld [smem:$0x3FFB];
	_ =	sdelay $0x3  }
0x92: {  	_ =	strace s18  }
0x93: {  	s3 =	sld [smem:$0x3FFC];
	_ =	sdelay $0x3  }
0x94: {  	_ =	strace s3  }
0x95: {  	s3 =	sld [smem:$0x3FFD];
	_ =	sdelay $0x3  }
0x96: {  	_ =	strace s3  }
0x97: {  	_ =	strace $0x8FFFFFFF  }
0x98: {  	s19 =	sld [smem:$0x3FDB];
	_ =	sdelay $0x1  }
0x99: {  	s4 =	simm.s32 $_scs_section_size  }
0x9a: {  	s5 =	simm.s32 $_size__tile_overlayer_lowered;
	s6 =	simm.s32 $_tile_overlayer_lowered  }
0x9b: {  	s22 =	simm.s32 $0x1BFF;
	s21 =	sshll.u32 s6, $0x1;
	s3 =	sadd.s32 s4, s19  }
0x9c: {  	s7 =	simm.s32 $0x0;
	s20 =	sshll.u32 s5, $0x1;
	s5 =	sadd.s32 s21, s3  }
0x9d: {  	[timem:s7], [sflag:s22] =	dma.local [hbm:s5], s20  }
0x9e: {  	_ =	swait.ge [sflag:s22], s20  }
0x9f: {  	s4 =	ssub.s32 $0x0, s20;
	[sflag:s22] =	ssyncset.done $0x0  }
0xa0: {  	[sflag:s22] =	ssyncadd.s32 s4;
	_ =	sdelay $0x1  }
0xa1: {  	s23 =	simm.s32 $0x1B8B  }
0xa2: {  	_ =	swait.ge [sflag:s23], $0x1  }
0xa3: {  	[sflag:s23] =	ssyncset.done $0x0  }
0xa4: {  	s25 =	simm.s32 $0x1B8E;
	s24 =	sld [smem:$0x3FFE];
	[sflag:s23] =	ssyncadd.s32 $0xFFFFFFFF  }
0xa5: {  	s26 =	simm.s32 $execute0_lowered;
	[smem:$0x3FD2] =	sst s25  }
0xa6: {  	s5 =	sshll.u32 s26, $0x1;
	_ =	strace $0x80000046;
	[dreg:$0x1] =	wrdreg $0xFFFFFFFF  }
0xa7: {  	s28 =	simm.s32 $_size_execute0_lowered;
	s3 =	sadd.s32 s3, s5;
	[dreg:$0x0] =	wrdreg $0x0  }
0xa8: {  	s5 =	sshll.u32 s28, $0x1;
	[dreg:$0x2] =	wrdreg s3  }
0xa9: {  	[dreg:$0x3] =	wrdreg s5  }
0xaa: {  	[dreg:$0x4] =	wrdreg $0xC0  }
0xab: {  	_ =	task [dreg:s7], $0x5FFFF  }
0xac: {  	[dreg:$0x1] =	wrdreg $0xFFFFFFFF  }
0xad: {  	[dreg:$0x0] =	wrdreg $0x60  }
0xae: {  	[dreg:$0x2] =	wrdreg s24  }
0xaf: {  	[dreg:$0x3] =	wrdreg s2  }
0xb0: {  	[dreg:$0x4] =	wrdreg $0x9  }
0xb1: {  	_ =	task.clear_ibuf [dreg:s7], $0x5FFFF;
	_ =	strace $0x90000046  }
0xb2: {  	s29 =	simm.s32 $0x9;
	_ =	strace $0x80000048  }
0xb3: {  	_ =	swait.ge [sflag:s29], $0x1  }
0xb4: {  	[sflag:s29] =	ssyncadd.s32 $0xFFFFFFFF  }
0xb5: {  	_ =	strace $0x90000048  }
0xb6: {  	_ =	sfence  }
0xb7: {  	s30 =	sld [smem:$0x0];
	_ =	sdelay $0x2  }
0xb8: {  	s31 =	sshll.u32 s1, $0xD;
	s1 =	sshrl.u32 s1, $0x2  }
0xb9: {  	s3 =	sand.u32 $0x4000, s31;
	s1 =	sadd.s32 s1, s30  }
0xba: {  	s0 =	sor.u32 s3, s0;
	s1 =	sshll.u32 s1, $0x11  }
0xbb: {  	s0 =	sor.u32 s1, s0  }
0xbc: {  	s0 =	sadd.s32 $0x8F2B, s0  }
0xbd: {  	[sflag:s0] =	ssyncadd.remote.s32 $0x1  }
0xbe: {  	_ =	sfence.sel $0xFFFF  }
0xbf: {  	[dreg:$0x0] =	wrdreg $0xFFFFFFFF;
	(pc) =	sbr.abs _section_cstart, $3  }
0xc0: {  	[dreg:$0x1] =	wrdreg $0xFFFFFFFF  }
0xc1: {  	_ =	task.clear_ibuf [dreg:s7], $0x2FFFF;
	_ =	strace $0x9FFFFFFF  }
0xc2: {  	(tm) =	ssettm $0x7FFFFFFF  }
0xc3: {  	_ =	shalt  }
tec
execute0_lowered:
.L_overlay_start_1:
0x0: {  	(tag) =	ssettag $0x1  }
0x1: {  	s0 =	srdreg.scid;
	s2 =	stileid.u32  }
0x2: {  	s1 =	rddreg [dreg:$0x0];
	s13 =	simm.s32 $0x2900;
	s14 =	simm.s32 $0x3900  }
0x3: {  	s15 =	simm.s32 $0x40;
	s0 =	sand.u32 $0x1, s0;
	s3 =	sshll.u32 s2, $0x1  }
0x4: {  	s16 =	simm.s32 $0x4900;
	s17 =	simm.s32 $0x1;
	s4 =	sor.u32 s0, s3  }
0x5: {  	s18 =	simm.s32 $0x2;
	s0 =	ssub.s32 $0x2, s0;
	s4 =	smul.u32 $0x1900, s4  }
0x6: {  	s2 =	rddreg [dreg:$0x1];
	s3 =	simm.s32 $0x0;
	s7 =	sshrl.u32 s0, $0x1  }
0x7: {  	[smem:$0x7FF] =	sst s3;
	s0 =	ssub.s32 s0, s7;
	s5 =	sshrl.u32 s4, $0x3  }
0x8: {  	_ =	strace $0x80000047;
	s0 =	smax.u32 s0, $0x1;
	s6 =	sadd.s32 s5, s1  }
0x9: {  	s5 =	sadd.s32 $0xF43000, s1;
	s1 =	sadd.s32 $0x7000, s1;
	[dreg:$0x5] =	wrdreg s0  }
0xa: {  	s19 =	simm.s32 $0x3;
	[dreg:$0x3] =	wrdreg s1;
	s31 =	sadd.s32 $0xC00, s6  }
0xb: {  	s20 =	simm.s32 $0x4;
	s6 =	simm.s32 $0x0;
	[dreg:$0x4] =	wrdreg s31  }
.LBB2_1:
0xc: {  	[dreg:$0x6] =	wrdreg s6  }
0xd: {  	s0 =	rddreg [dreg:$0x4];
	s1 =	simm.s32 $0x9  }
0xe: {  	[tilespmem:s3], [sflag:$0x9] =	stream.linear.gather [hbm4b:s0+s3], $0x1900, $0x38;
	[tilespmem:$0x9B00] =	vst v63  }
0xf: {  	_ =	swait.ge [sflag:s1], $0x1900  }
0x10: {  	[sflag:s1] =	ssyncset.done $0x0  }
0x11: {  	s24 =	simm.s32 $0x5900;
	s23 =	rddreg [dreg:$0x3];
	[sflag:s1] =	ssyncadd.s32 $0xFFFFE700  }
0x12: {  	[tilespmem:s24], [sflag:$0x9] =	stream.linear.gather [hbm4b:s23+s3], $0x3200, $0x38;
	[tilespmem:$0x9B00] =	vst v63  }
0x13: {  	_ =	swait.ge [sflag:s1], $0x3200  }
0x14: {  	[sflag:s1] =	ssyncset.done $0x0  }
0x15: {  	s25 =	simm.s32 $0x8B00;
	[sflag:s1] =	ssyncadd.s32 $0xFFFFCE00  }
0x16: {  	[tilespmem:s25], [sflag:$0x9] =	stream.linear.gather [hbm4b:s23+s3], $0x1000, $0x38;
	[tilespmem:$0x9B00] =	vst v63  }
0x17: {  	_ =	swait.ge [sflag:s1], $0x1000  }
0x18: {  	s26 =	simm.s32 $0x1900;
	s28 =	simm.s32 $0x5AF0;
	[sflag:s1] =	ssyncset.done $0x0  }
0x19: {  	s29 =	simm.s32 $0x6AF0;
	s30 =	simm.s32 $0x7AF0;
	[sflag:s1] =	ssyncadd.s32 $0xFFFFF000  }
0x1a: {  	[tilespmem:s26], [sflag:$0x1] =	stream.indirect.gather [hbm4b:s5+s15], $0x40, s3, s15, $0xb8;
	[tilespmem:$0x9B00] =	vst v63  }
0x1b: {  	s31 =	simm.s32 $0x8AF0;
	s10 =	simm.s32 $0x0;
	s11 =	simm.s32 $0x0  }
0x1c: {  	[tilespmem:s13], [sflag:$0x2] =	stream.indirect.gather [hbm4b:s5+s15], $0x40, s15, s15, $0xb8;
	[tilespmem:$0x9B00] =	vst v63  }
0x1d: {  	s0 =	simm.s32 $0x40;
	s1 =	simm.s32 $0xC0;
	s26 =	simm.s32 $0x80  }
0x1e: {  	[tilespmem:s14], [sflag:$0x3] =	stream.indirect.gather [hbm4b:s5+s15], $0x40, s26, s15, $0xb8;
	[tilespmem:$0x9B00] =	vst v63  }
.LBB2_2:
0x1f: {  	p0 =	seq.s32 s11, $0x0  }
0x20: {  	s6 =	simm.s32 @!p0 $0x8  }
0x21: {  	s8 =	smulhi.u32 $0x51EB851F, s10;
	s7 =	sshllo.u32 s11, $0x2;
	_ =	swait.ge @!p0 [sflag:s6], $0x1000  }
0x22: {  	s7 =	sshll.u32 s7, $0x6;
	[sflag:s6] =	ssyncset.done @!p0 $0x0  }
0x23: {  	s8 =	sshrl.u32 s8, $0x6;
	s23 =	sand.u32 $0x3FFFFFC0, s7;
	[sflag:s6] =	ssyncadd.s32 @!p0 $0xFFFFF000  }
0x24: {  	[tilespmem:s16], [sflag:$0x4] =	stream.indirect.gather [hbm4b:s5+s15], $0x40, s23, s15, $0xb8;
	[tilespmem:$0x9B00] =	vst v63  }
0x25: {  	s24 =	smul.u32 $0xFFFF3800, s8;
	_ =	swait.ge [sflag:s17], $0x1000  }
0x26: {  	[sflag:s17] =	ssyncset.done $0x0  }
0x27: {  	s6 =	sshra.s32 s24, $0x2;
	s23 =	simm.s32 $0x1A00;
	[sflag:s17] =	ssyncadd.s32 $0xFFFFF000  }
0x28: {  	s6 =	sadd.s32 s6, s28;
	v0 =	vld [tilespmem:s23+$0xC0]  }
0x29: {  	v1 =	vld [tilespmem:s6+$0xFFFFFFD0]  }
0x2a: {  	v2 =	vld [tilespmem:s6+$0xFFFFFE10]  }
0x2b: {  	v3 =	vld [tilespmem:s23+$0xFFFFFF40]  }
0x2c: {  	v4 =	vld [tilespmem:s23+$0xFFFFFF80]  }
0x2d: {  	v6 =	vld [tilespmem:s6+$0xFFFFFE90]  }
0x2e: {  	v7 =	vld [tilespmem:s23+$0xFFFFFFC0]  }
0x2f: {  	v8 =	vld [tilespmem:s6+$0xFFFFFED0]  }
0x30: {  	v9 =	vld [tilespmem:s23+$0x0]  }
0x31: {  	v10 =	vld [tilespmem:s6+$0xFFFFFF10]  }
0x32: {  	v11 =	vld [tilespmem:s6+$0xFFFFFF50]  }
0x33: {  	v60 =	vld [tilespmem:s23+$0xFFFFFFD0]  }
0x34: {  	v13 =	vld [tilespmem:s23+$0x10]  }
0x35: {  	v61 =	vld [tilespmem:s23+$0xFFFFFFE0]  }
0x36: {  	v62 =	vld [tilespmem:s23+$0x60]  }
0x37: {  	v63 =	vld [tilespmem:s23+$0xFFFFFF30];
	v0 =	vadd.f32 v1, v0  }
0x38: {  	v1 =	vld [tilespmem:s6+$0xFFFFFE50]  }
0x39: {  	v4 =	vadd.f32 v6, v4;
	[tilespmem:s23+$0xC0] =	vst v0;
	v0 =	vld [tilespmem:s23+$0xD0]  }
0x3a: {  	v5 =	vld [tilespmem:s6+$0xFFFFFFE0]  }
0x3b: {  	v6 =	vld [tilespmem:s6+$0xFFFFFF90];
	[tilespmem:s23+$0xFFFFFF80] =	vst v4;
	v4 =	vadd.f32 v10, v9  }
0x3c: {  	v10 =	vld [tilespmem:s23+$0xFFFFFF50]  }
0x3d: {  	[tilespmem:s23+$0x0] =	vst v4;
	v1 =	vadd.f32 v1, v3;
	v3 =	vld [tilespmem:s23+$0x80]  }
0x3e: {  	v9 =	vld [tilespmem:s6+$0xFFFFFF20]  }
0x3f: {  	[tilespmem:s23+$0xFFFFFF40] =	vst v1;
	v0 =	vadd.f32 v5, v0;
	v5 =	vld [tilespmem:s23+$0x40]  }
0x40: {  	v1 =	vadd.f32 v8, v7;
	v8 =	vld [tilespmem:s6+$0xFFFFFE60]  }
0x41: {  	[tilespmem:s23+$0xD0] =	vst v0;
	v0 =	vld [tilespmem:s23+$0xE0]  }
0x42: {  	v12 =	vld [tilespmem:s6+$0xFFFFFFF0]  }
0x43: {  	v7 =	vld [tilespmem:s23+$0xFFFFFF00]  }
0x44: {  	[tilespmem:s23+$0xFFFFFFC0] =	vst v1;
	v1 =	vld [tilespmem:s6+$0xFFFFFEA0]  }
0x45: {  	v4 =	vld [tilespmem:s6+$0xFFFFFEE0];
	v8 =	vadd.f32 v8, v10  }
0x46: {  	v5 =	vadd.f32 v11, v5;
	v11 =	vld [tilespmem:s23+$0xFFFFFF90]  }
0x47: {  	v10 =	vld [tilespmem:s23+$0x90];
	[tilespmem:s23+$0xFFFFFF50] =	vst v8;
	v0 =	vadd.f32 v12, v0  }
0x48: {  	v8 =	vld [tilespmem:s6+$0xFFFFFE70]  }
0x49: {  	[tilespmem:s23+$0xE0] =	vst v0;
	v0 =	vadd.f32 v2, v7;
	v7 =	vld [tilespmem:s23+$0xF0]  }
0x4a: {  	[tilespmem:s23+$0x40] =	vst v5;
	v2 =	vadd.f32 v6, v3;
	v5 =	vld [tilespmem:s6+$0x0]  }
0x4b: {  	v1 =	vadd.f32 v1, v11;
	[tilespmem:s23+$0xFFFFFF00] =	vst v0;
	v0 =	vld [tilespmem:s6+$0xFFFFFF60]  }
0x4c: {  	[tilespmem:s23+$0x80] =	vst v2;
	v2 =	vld [tilespmem:s23+$0xFFFFFF10]  }
0x4d: {  	[tilespmem:s23+$0xFFFFFF90] =	vst v1;
	v1 =	vadd.f32 v9, v13;
	v3 =	vld [tilespmem:s6+$0xFFFFFE20]  }
0x4e: {  	v4 =	vadd.f32 v4, v60;
	v6 =	vld [tilespmem:s6+$0xFFFFFFA0]  }
0x4f: {  	v9 =	vld [tilespmem:s6+$0xFFFFFEB0];
	[tilespmem:s23+$0x10] =	vst v1  }
0x50: {  	[tilespmem:s23+$0xFFFFFFD0] =	vst v4;
	v4 =	vld [tilespmem:s6+$0xFFFFFF30]  }
0x51: {  	v7 =	vadd.f32 v5, v7;
	v5 =	vld [tilespmem:s23+$0xFFFFFFF0]  }
0x52: {  	v2 =	vadd.f32 v3, v2;
	v3 =	vld [tilespmem:s23+$0x50]  }
0x53: {  	v1 =	vadd.f32 v6, v10;
	[tilespmem:s23+$0xF0] =	vst v7;
	v7 =	vld [tilespmem:s23+$0x70]  }
0x54: {  	[tilespmem:s23+$0xFFFFFF10] =	vst v2;
	v2 =	vld [tilespmem:s23+$0xFFFFFF20]  }
0x55: {  	[tilespmem:s23+$0x90] =	vst v1;
	v1 =	vld [tilespmem:s23+$0xFFFFFFA0]  }
0x56: {  	v11 =	vld [tilespmem:s6+$0xFFFFFE30]  }
0x57: {  	v0 =	vadd.f32 v0, v3;
	v3 =	vld [tilespmem:s6+$0xFFFFFEF0]  }
0x58: {  	v10 =	vld [tilespmem:s6+$0xFFFFFFB0]  }
0x59: {  	[tilespmem:s23+$0x50] =	vst v0;
	v0 =	vld [tilespmem:s23+$0xFFFFFF60]  }
0x5a: {  	v6 =	vld [tilespmem:s6+$0xFFFFFF70]  }
0x5b: {  	v2 =	vadd.f32 v11, v2;
	v11 =	vld [tilespmem:s23+$0x20]  }
0x5c: {  	v1 =	vadd.f32 v9, v1;
	v9 =	vld [tilespmem:s23+$0xFFFFFFB0];
	v3 =	vadd.f32 v3, v61  }
0x5d: {  	[tilespmem:s23+$0xFFFFFF20] =	vst v2;
	v2 =	vld [tilespmem:s23+$0xA0]  }
0x5e: {  	v0 =	vadd.f32 v8, v0;
	v8 =	vld [tilespmem:s6+$0xFFFFFE40];
	[tilespmem:s23+$0xFFFFFFE0] =	vst v3  }
0x5f: {  	s9 =	smulhi.u32 $0x51EB851F, s26;
	[tilespmem:s23+$0xFFFFFFA0] =	vst v1;
	v1 =	vld [tilespmem:s6+$0xFFFFFF00]  }
0x60: {  	s12 =	smulhi.u32 $0x51EB851F, s0;
	v4 =	vadd.f32 v4, v11;
	v3 =	vadd.f32 v6, v62;
	v6 =	vld [tilespmem:s23+$0x30];
	[tilespmem:s23+$0xFFFFFF60] =	vst v0  }
0x61: {  	s25 =	smulhi.u32 $0x51EB851F, s1;
	s9 =	sshrl.u32 s9, $0x6;
	v14 =	vld [tilespmem:s6+$0xFFFFFE80]  }
0x62: {  	s12 =	sshrl.u32 s12, $0x6;
	s9 =	smul.u32 $0xFFFF3800, s9;
	[tilespmem:s23+$0x20] =	vst v4;
	v4 =	vadd.f32 v10, v2;
	v10 =	vld [tilespmem:s23+$0xFFFFFF70]  }
0x63: {  	s8 =	sshrl.u32 s25, $0x6;
	s12 =	smul.u32 $0xFFFF3800, s12;
	v0 =	vld [tilespmem:s6+$0xFFFFFEC0]  }
0x64: {  	s8 =	smul.u32 $0xFFFF3800, s8;
	[tilespmem:s23+$0x60] =	vst v3;
	v2 =	vld [tilespmem:s6+$0xFFFFFF40]  }
0x65: {  	s22 =	sshll.u32 s11, $0x8;
	s25 =	simm.s32 $0x1C00;
	s9 =	sshra.s32 s9, $0x2;
	v3 =	vld [tilespmem:s6+$0xFFFFFF80];
	[tilespmem:s23+$0xA0] =	vst v4;
	v8 =	vadd.f32 v8, v63  }
0x66: {  	s12 =	sshra.s32 s12, $0x2;
	s8 =	sshra.s32 s8, $0x2;
	s21 =	sadd.s32 s9, s30;
	v4 =	vld [tilespmem:s6+$0xFFFFFFC0]  }
0x67: {  	s24 =	sadd.s32 s12, s29;
	s9 =	simm.s32 $0x0;
	s8 =	sadd.s32 s8, s31;
	[tilespmem:s23+$0xFFFFFF30] =	vst v8;
	v8 =	vld [tilespmem:s23+$0xB0];
	v10 =	vadd.f32 v14, v10  }
.LBB2_3:
0x68: {  	v11 =	vld [tilespmem:s25+$0xC0];
	v0 =	vadd.f32 v0, v9;
	s6 =	sadd.s32 $0x200, s6  }
0x69: {  	s9 =	sadd.s32 $0x8, s9;
	v9 =	vld [tilespmem:s6+$0xFFFFFFD0];
	[tilespmem:s23+$0xFFFFFF70] =	vst v10;
	v1 =	vadd.f32 v1, v5  }
0x6a: {  	p0 =	slt.u32 s9, $0x38;
	v5 =	vld [tilespmem:s6+$0xFFFFFE10];
	[tilespmem:s23+$0xFFFFFFB0] =	vst v0;
	v0 =	vadd.f32 v2, v6  }
0x6b: {  	v2 =	vld [tilespmem:s25+$0xFFFFFF40];
	[tilespmem:s23+$0xFFFFFFF0] =	vst v1;
	v1 =	vadd.f32 v3, v7  }
0x6c: {  	v3 =	vld [tilespmem:s6+$0xFFFFFE50];
	[tilespmem:s23+$0x30] =	vst v0;
	v0 =	vadd.f32 v4, v8  }
0x6d: {  	v4 =	vld [tilespmem:s25+$0xFFFFFF80];
	[tilespmem:s23+$0x70] =	vst v1  }
0x6e: {  	v1 =	vld [tilespmem:s6+$0xFFFFFE90];
	v6 =	vadd.f32 v9, v11;
	[tilespmem:s23+$0xB0] =	vst v0;
	s23 =	smov.u32 s25  }
0x6f: {  	v0 =	vld [tilespmem:s25+$0xFFFFFFC0]  }
0x70: {  	[tilespmem:s25+$0xC0] =	vst v6;
	v6 =	vld [tilespmem:s25+$0xD0]  }
0x71: {  	v2 =	vadd.f32 v3, v2;
	v3 =	vld [tilespmem:s6+$0xFFFFFFE0]  }
0x72: {  	v7 =	vld [tilespmem:s6+$0xFFFFFED0]  }
0x73: {  	[tilespmem:s25+$0xFFFFFF40] =	vst v2;
	v1 =	vadd.f32 v1, v4;
	v2 =	vld [tilespmem:s25+$0x0]  }
0x74: {  	v4 =	vld [tilespmem:s6+$0xFFFFFF10]  }
0x75: {  	[tilespmem:s25+$0xFFFFFF80] =	vst v1;
	v1 =	vld [tilespmem:s25+$0x40]  }
0x76: {  	v8 =	vld [tilespmem:s6+$0xFFFFFF50];
	v3 =	vadd.f32 v3, v6  }
0x77: {  	v0 =	vadd.f32 v7, v0;
	v6 =	vld [tilespmem:s25+$0x80]  }
0x78: {  	[tilespmem:s25+$0xD0] =	vst v3;
	v3 =	vld [tilespmem:s25+$0xE0]  }
0x79: {  	[tilespmem:s25+$0xFFFFFFC0] =	vst v0;
	v0 =	vadd.f32 v4, v2;
	v2 =	vld [tilespmem:s6+$0xFFFFFFF0]  }
0x7a: {  	v4 =	vld [tilespmem:s6+$0xFFFFFF90]  }
0x7b: {  	v7 =	vld [tilespmem:s25+$0xFFFFFF00];
	[tilespmem:s25+$0x0] =	vst v0;
	v0 =	vadd.f32 v8, v1  }
0x7c: {  	v1 =	vld [tilespmem:s6+$0xFFFFFE60]  }
0x7d: {  	v8 =	vld [tilespmem:s6+$0xFFFFFEA0];
	[tilespmem:s25+$0x40] =	vst v0  }
0x7e: {  	v0 =	vld [tilespmem:s6+$0xFFFFFEE0];
	v2 =	vadd.f32 v2, v3  }
0x7f: {  	v3 =	vld [tilespmem:s6+$0xFFFFFF20];
	v4 =	vadd.f32 v4, v6  }
0x80: {  	v5 =	vadd.f32 v5, v7;
	[tilespmem:s25+$0xE0] =	vst v2;
	v2 =	vld [tilespmem:s25+$0xF0]  }
0x81: {  	[tilespmem:s25+$0x80] =	vst v4;
	v4 =	vld [tilespmem:s6+$0x0]  }
0x82: {  	[tilespmem:s25+$0xFFFFFF00] =	vst v5;
	v5 =	vld [tilespmem:s6+$0xFFFFFF60]  }
0x83: {  	v6 =	vld [tilespmem:s6+$0xFFFFFE20]  }
0x84: {  	v7 =	vld [tilespmem:s6+$0xFFFFFFA0]  }
0x85: {  	v9 =	vld [tilespmem:s25+$0xFFFFFF10]  }
0x86: {  	v10 =	vld [tilespmem:s25+$0xFFFFFF50];
	v2 =	vadd.f32 v4, v2  }
0x87: {  	v4 =	vld [tilespmem:s25+$0xFFFFFF90]  }
0x88: {  	v11 =	vld [tilespmem:s25+$0xFFFFFFD0];
	[tilespmem:s25+$0xF0] =	vst v2  }
0x89: {  	v2 =	vld [tilespmem:s25+$0x10]  }
0x8a: {  	v6 =	vadd.f32 v6, v9;
	v9 =	vld [tilespmem:s25+$0x50]  }
0x8b: {  	v1 =	vadd.f32 v1, v10;
	v10 =	vld [tilespmem:s25+$0x90]  }
0x8c: {  	[tilespmem:s25+$0xFFFFFF10] =	vst v6;
	v6 =	vld [tilespmem:s25+$0xFFFFFF20];
	v4 =	vadd.f32 v8, v4  }
0x8d: {  	v8 =	vld [tilespmem:s6+$0xFFFFFE30];
	[tilespmem:s25+$0xFFFFFF50] =	vst v1;
	v0 =	vadd.f32 v0, v11  }
0x8e: {  	v1 =	vld [tilespmem:s6+$0xFFFFFE70];
	[tilespmem:s25+$0xFFFFFF90] =	vst v4;
	v2 =	vadd.f32 v3, v2  }
0x8f: {  	v3 =	vld [tilespmem:s6+$0xFFFFFEB0];
	[tilespmem:s25+$0xFFFFFFD0] =	vst v0;
	v0 =	vadd.f32 v5, v9  }
0x90: {  	v4 =	vld [tilespmem:s6+$0xFFFFFEF0];
	[tilespmem:s25+$0x10] =	vst v2;
	v2 =	vadd.f32 v7, v10  }
0x91: {  	v5 =	vld [tilespmem:s6+$0xFFFFFF30];
	[tilespmem:s25+$0x50] =	vst v0  }
0x92: {  	v0 =	vadd.f32 v8, v6;
	v6 =	vld [tilespmem:s6+$0xFFFFFF70];
	[tilespmem:s25+$0x90] =	vst v2  }
0x93: {  	v2 =	vld [tilespmem:s6+$0xFFFFFFB0]  }
0x94: {  	[tilespmem:s25+$0xFFFFFF20] =	vst v0;
	v0 =	vld [tilespmem:s25+$0xFFFFFF60]  }
0x95: {  	v7 =	vld [tilespmem:s25+$0xFFFFFFA0]  }
0x96: {  	v8 =	vld [tilespmem:s25+$0xFFFFFFE0]  }
0x97: {  	v9 =	vld [tilespmem:s25+$0x20]  }
0x98: {  	v10 =	vld [tilespmem:s25+$0x60]  }
0x99: {  	v0 =	vadd.f32 v1, v0;
	v11 =	vld [tilespmem:s25+$0xA0]  }
0x9a: {  	v12 =	vld [tilespmem:s6+$0xFFFFFE40];
	v1 =	vadd.f32 v3, v7  }
0x9b: {  	v3 =	vld [tilespmem:s25+$0xFFFFFF30];
	[tilespmem:s25+$0xFFFFFF60] =	vst v0;
	v4 =	vadd.f32 v4, v8  }
0x9c: {  	v8 =	vld [tilespmem:s6+$0xFFFFFE80];
	[tilespmem:s25+$0xFFFFFFA0] =	vst v1;
	v5 =	vadd.f32 v5, v9  }
0x9d: {  	v0 =	vld [tilespmem:s6+$0xFFFFFEC0];
	[tilespmem:s25+$0xFFFFFFE0] =	vst v4;
	v4 =	vadd.f32 v6, v10  }
0x9e: {  	v1 =	vld [tilespmem:s6+$0xFFFFFF00];
	[tilespmem:s25+$0x20] =	vst v5;
	v5 =	vadd.f32 v2, v11  }
0x9f: {  	v2 =	vld [tilespmem:s6+$0xFFFFFF40];
	[tilespmem:s25+$0x60] =	vst v4  }
0xa0: {  	v6 =	vadd.f32 v12, v3;
	v3 =	vld [tilespmem:s6+$0xFFFFFF80];
	[tilespmem:s25+$0xA0] =	vst v5  }
0xa1: {  	v4 =	vld [tilespmem:s6+$0xFFFFFFC0]  }
0xa2: {  	[tilespmem:s25+$0xFFFFFF30] =	vst v6;
	v10 =	vld [tilespmem:s25+$0xFFFFFF70]  }
.Ltmp0:
0xa3: {  	v9 =	vld [tilespmem:s25+$0xFFFFFFB0];
	(pc) =	sbr.rel @p0 .LBB2_3-.Ltmp0, $4  }
0xa4: {  	v5 =	vld [tilespmem:s25+$0xFFFFFFF0]  }
0xa5: {  	v6 =	vld [tilespmem:s25+$0x30]  }
0xa6: {  	v7 =	vld [tilespmem:s25+$0x70]  }
0xa7: {  	s25 =	sadd.s32 $0x200, s25;
	v10 =	vadd.f32 v8, v10;
	v8 =	vld [tilespmem:s23+$0xB0]  }
0xa8: {  	v0 =	vadd.f32 v0, v9  }
0xa9: {  	[tilespmem:s23+$0xFFFFFF70] =	vst v10;
	v1 =	vadd.f32 v1, v5  }
0xaa: {  	[tilespmem:s23+$0xFFFFFFB0] =	vst v0;
	v0 =	vadd.f32 v2, v6  }
0xab: {  	[tilespmem:s23+$0xFFFFFFF0] =	vst v1;
	v1 =	vadd.f32 v3, v7  }
0xac: {  	s6 =	sadd.s32 s4, s22;
	[tilespmem:s23+$0x30] =	vst v0;
	v0 =	vadd.f32 v4, v8  }
0xad: {  	s6 =	sshll.u32 s6, $0x3;
	[tilespmem:s23+$0x70] =	vst v1  }
0xae: {  	s9 =	simm.s32 $0x1900;
	p0 =	seq.s32 s11, $0x18;
	s6 =	sadd.s32 s2, s6;
	[tilespmem:s23+$0xB0] =	vst v0  }
0xaf: {  	[hbm4b:s6+s3] =	stream.linear.scatter [tilespmem:s9], [sflag:$0x5], $0x1000, $0x38;
	[tilespmem:$0x9B00] =	vst v63  }
0xb0: {  	s6 =	simm.s32 @!p0 $0x5  }
0xb1: {  	s9 =	sshll.u32 @!p0 s11, $0x8;
	_ =	swait.ge @!p0 [sflag:s6], $0x1000  }
0xb2: {  	s12 =	simm.s32 @!p0 $0x1900;
	s23 =	sand.u32 @!p0 $0x3FFFFF00, s9;
	[sflag:s6] =	ssyncset.done @!p0 $0x0  }
0xb3: {  	s9 =	simm.s32 @!p0 $0x40;
	[sflag:s6] =	ssyncadd.s32 @!p0 $0xFFFFF000;
	s6 =	sadd.s32 @!p0 $0x100, s23  }
0xb4: {  	[tilespmem:s12], [sflag:$0x1] =	stream.indirect.gather @!p0 [hbm4b:s5+s9], $0x40, s6, s9, $0xb8;
	[tilespmem:$0x9B00] =	vst v63  }
0xb5: {  	_ =	swait.ge [sflag:s18], $0x1000  }
0xb6: {  	[sflag:s18] =	ssyncset.done $0x0  }
0xb7: {  	s6 =	simm.s32 $0x2AF0;
	[sflag:s18] =	ssyncadd.s32 $0xFFFFF000  }
0xb8: {  	v0 =	vld [tilespmem:s6+$0xFFFFFFD0]  }
0xb9: {  	v1 =	vld [tilespmem:s24+$0xFFFFFFD0]  }
0xba: {  	v2 =	vld [tilespmem:s24+$0xFFFFFE10]  }
0xbb: {  	v3 =	vld [tilespmem:s6+$0xFFFFFE50]  }
0xbc: {  	v4 =	vld [tilespmem:s6+$0xFFFFFE90]  }
0xbd: {  	v6 =	vld [tilespmem:s24+$0xFFFFFE90]  }
0xbe: {  	v7 =	vld [tilespmem:s6+$0xFFFFFED0]  }
0xbf: {  	v8 =	vld [tilespmem:s24+$0xFFFFFED0]  }
0xc0: {  	v9 =	vld [tilespmem:s6+$0xFFFFFF10]  }
0xc1: {  	v10 =	vld [tilespmem:s24+$0xFFFFFF10]  }
0xc2: {  	v11 =	vld [tilespmem:s24+$0xFFFFFF50]  }
0xc3: {  	v60 =	vld [tilespmem:s6+$0xFFFFFEE0]  }
0xc4: {  	v13 =	vld [tilespmem:s6+$0xFFFFFF20]  }
0xc5: {  	v61 =	vld [tilespmem:s6+$0xFFFFFEF0]  }
0xc6: {  	v62 =	vld [tilespmem:s6+$0xFFFFFF70];
	v0 =	vadd.f32 v1, v0  }
0xc7: {  	v1 =	vld [tilespmem:s24+$0xFFFFFE50]  }
0xc8: {  	[tilespmem:s6+$0xFFFFFFD0] =	vst v0;
	v0 =	vld [tilespmem:s6+$0xFFFFFFE0]  }
0xc9: {  	v5 =	vld [tilespmem:s24+$0xFFFFFFE0]  }
0xca: {  	v63 =	vld [tilespmem:s6+$0xFFFFFE40];
	v4 =	vadd.f32 v6, v4  }
0xcb: {  	v6 =	vld [tilespmem:s24+$0xFFFFFF90]  }
0xcc: {  	[tilespmem:s6+$0xFFFFFE90] =	vst v4;
	v4 =	vadd.f32 v10, v9;
	v10 =	vld [tilespmem:s6+$0xFFFFFE60];
	v1 =	vadd.f32 v1, v3  }
0xcd: {  	v3 =	vld [tilespmem:s6+$0xFFFFFF90]  }
0xce: {  	[tilespmem:s6+$0xFFFFFE50] =	vst v1;
	v0 =	vadd.f32 v5, v0;
	v5 =	vld [tilespmem:s6+$0xFFFFFF50]  }
0xcf: {  	v1 =	vadd.f32 v8, v7;
	v8 =	vld [tilespmem:s24+$0xFFFFFE60]  }
0xd0: {  	[tilespmem:s6+$0xFFFFFFE0] =	vst v0;
	v0 =	vld [tilespmem:s6+$0xFFFFFFF0]  }
0xd1: {  	[tilespmem:s6+$0xFFFFFF10] =	vst v4;
	v12 =	vld [tilespmem:s24+$0xFFFFFFF0]  }
0xd2: {  	v9 =	vld [tilespmem:s24+$0xFFFFFF20]  }
0xd3: {  	v7 =	vld [tilespmem:s6+$0xFFFFFE10]  }
0xd4: {  	[tilespmem:s6+$0xFFFFFED0] =	vst v1;
	v1 =	vld [tilespmem:s24+$0xFFFFFEA0]  }
0xd5: {  	v4 =	vld [tilespmem:s24+$0xFFFFFEE0];
	v8 =	vadd.f32 v8, v10  }
0xd6: {  	v5 =	vadd.f32 v11, v5;
	v11 =	vld [tilespmem:s6+$0xFFFFFEA0];
	v0 =	vadd.f32 v12, v0  }
0xd7: {  	v10 =	vld [tilespmem:s6+$0xFFFFFFA0];
	[tilespmem:s6+$0xFFFFFE60] =	vst v8  }
0xd8: {  	v8 =	vld [tilespmem:s24+$0xFFFFFE70];
	[tilespmem:s6+$0xFFFFFFF0] =	vst v0;
	v0 =	vadd.f32 v2, v7  }
0xd9: {  	[tilespmem:s6+$0xFFFFFF50] =	vst v5;
	v7 =	vld [tilespmem:s6+$0x0];
	v2 =	vadd.f32 v6, v3  }
0xda: {  	v5 =	vld [tilespmem:s24+$0x0];
	[tilespmem:s6+$0xFFFFFE10] =	vst v0  }
0xdb: {  	v1 =	vadd.f32 v1, v11;
	[tilespmem:s6+$0xFFFFFF90] =	vst v2;
	v2 =	vld [tilespmem:s6+$0xFFFFFE20]  }
0xdc: {  	v3 =	vld [tilespmem:s24+$0xFFFFFE20]  }
0xdd: {  	[tilespmem:s6+$0xFFFFFEA0] =	vst v1;
	v1 =	vadd.f32 v9, v13;
	v6 =	vld [tilespmem:s24+$0xFFFFFFA0]  }
0xde: {  	v4 =	vadd.f32 v4, v60;
	v0 =	vld [tilespmem:s24+$0xFFFFFF60]  }
0xdf: {  	v9 =	vld [tilespmem:s24+$0xFFFFFEB0];
	[tilespmem:s6+$0xFFFFFF20] =	vst v1  }
0xe0: {  	[tilespmem:s6+$0xFFFFFEE0] =	vst v4;
	v4 =	vld [tilespmem:s24+$0xFFFFFF30]  }
0xe1: {  	v2 =	vadd.f32 v3, v2;
	v3 =	vld [tilespmem:s6+$0xFFFFFF60]  }
0xe2: {  	v1 =	vadd.f32 v6, v10;
	v10 =	vld [tilespmem:s6+$0xFFFFFEB0]  }
0xe3: {  	[tilespmem:s6+$0xFFFFFE20] =	vst v2;
	v2 =	vld [tilespmem:s6+$0xFFFFFE30]  }
0xe4: {  	v11 =	vld [tilespmem:s24+$0xFFFFFE30]  }
0xe5: {  	v5 =	vadd.f32 v5, v7;
	[tilespmem:s6+$0xFFFFFFA0] =	vst v1;
	v1 =	vld [tilespmem:s6+$0xFFFFFE70]  }
0xe6: {  	v7 =	vld [tilespmem:s6+$0xFFFFFF40]  }
0xe7: {  	[tilespmem:s6+$0x0] =	vst v5;
	v5 =	vld [tilespmem:s6+$0xFFFFFF80]  }
0xe8: {  	v6 =	vld [tilespmem:s24+$0xFFFFFFB0]  }
0xe9: {  	v0 =	vadd.f32 v0, v3;
	v3 =	vld [tilespmem:s24+$0xFFFFFEF0];
	v2 =	vadd.f32 v11, v2  }
0xea: {  	v1 =	vadd.f32 v8, v1;
	v8 =	vadd.f32 v9, v10;
	v9 =	vld [tilespmem:s6+$0xFFFFFEC0]  }
0xeb: {  	[tilespmem:s6+$0xFFFFFE30] =	vst v2;
	v2 =	vld [tilespmem:s6+$0xFFFFFFB0]  }
0xec: {  	[tilespmem:s6+$0xFFFFFF60] =	vst v0;
	v11 =	vld [tilespmem:s6+$0xFFFFFF30]  }
0xed: {  	v0 =	vld [tilespmem:s24+$0xFFFFFF70];
	[tilespmem:s6+$0xFFFFFE70] =	vst v1  }
0xee: {  	[tilespmem:s6+$0xFFFFFEB0] =	vst v8;
	v8 =	vld [tilespmem:s6+$0xFFFFFF00]  }
0xef: {  	v1 =	vadd.f32 v3, v61;
	v14 =	vld [tilespmem:s24+$0xFFFFFE80]  }
0xf0: {  	v10 =	vld [tilespmem:s24+$0xFFFFFE40];
	v6 =	vadd.f32 v6, v2  }
0xf1: {  	[tilespmem:s6+$0xFFFFFEF0] =	vst v1;
	v3 =	vadd.f32 v4, v11;
	v4 =	vld [tilespmem:s24+$0xFFFFFEC0]  }
0xf2: {  	v0 =	vadd.f32 v0, v62;
	[tilespmem:s6+$0xFFFFFFB0] =	vst v6;
	v6 =	vld [tilespmem:s6+$0xFFFFFE80]  }
0xf3: {  	v1 =	vld [tilespmem:s24+$0xFFFFFF00];
	[tilespmem:s6+$0xFFFFFF30] =	vst v3  }
0xf4: {  	[tilespmem:s6+$0xFFFFFF70] =	vst v0;
	v2 =	vld [tilespmem:s24+$0xFFFFFF40]  }
0xf5: {  	v3 =	vld [tilespmem:s24+$0xFFFFFF80];
	v10 =	vadd.f32 v10, v63  }
0xf6: {  	v0 =	vld [tilespmem:s24+$0xFFFFFFC0]  }
0xf7: {  	s25 =	simm.s32 $0x0;
	s9 =	sor.u32 $0x40, s22;
	s12 =	simm.s32 $0x2CF0;
	[tilespmem:s6+$0xFFFFFE40] =	vst v10;
	v10 =	vadd.f32 v14, v6;
	v6 =	vld [tilespmem:s6+$0xFFFFFFC0]  }
.LBB2_5:
0xf8: {  	v11 =	vld [tilespmem:s12+$0xFFFFFFD0];
	v4 =	vadd.f32 v4, v9;
	s24 =	sadd.s32 $0x200, s24  }
0xf9: {  	s25 =	sadd.s32 $0x8, s25;
	v9 =	vld [tilespmem:s24+$0xFFFFFFD0];
	[tilespmem:s6+$0xFFFFFE80] =	vst v10;
	v1 =	vadd.f32 v1, v8  }
0xfa: {  	p1 =	slt.u32 s25, $0x38;
	v8 =	vld [tilespmem:s24+$0xFFFFFE10];
	[tilespmem:s6+$0xFFFFFEC0] =	vst v4;
	v2 =	vadd.f32 v2, v7  }
0xfb: {  	v4 =	vld [tilespmem:s12+$0xFFFFFE50];
	[tilespmem:s6+$0xFFFFFF00] =	vst v1;
	v1 =	vadd.f32 v3, v5  }
0xfc: {  	v3 =	vld [tilespmem:s24+$0xFFFFFE50];
	[tilespmem:s6+$0xFFFFFF40] =	vst v2;
	v0 =	vadd.f32 v0, v6  }
0xfd: {  	v2 =	vld [tilespmem:s12+$0xFFFFFE90];
	[tilespmem:s6+$0xFFFFFF80] =	vst v1  }
0xfe: {  	v1 =	vld [tilespmem:s24+$0xFFFFFE90];
	v5 =	vadd.f32 v9, v11;
	[tilespmem:s6+$0xFFFFFFC0] =	vst v0;
	s6 =	smov.u32 s12  }
0xff: {  	v0 =	vld [tilespmem:s12+$0xFFFFFED0]  }
0x100: {  	[tilespmem:s12+$0xFFFFFFD0] =	vst v5;
	v5 =	vld [tilespmem:s12+$0xFFFFFFE0]  }
0x101: {  	v3 =	vadd.f32 v3, v4;
	v4 =	vld [tilespmem:s24+$0xFFFFFFE0]  }
0x102: {  	v6 =	vld [tilespmem:s24+$0xFFFFFED0]  }
0x103: {  	[tilespmem:s12+$0xFFFFFE50] =	vst v3;
	v1 =	vadd.f32 v1, v2;
	v2 =	vld [tilespmem:s12+$0xFFFFFF10]  }
0x104: {  	v3 =	vld [tilespmem:s24+$0xFFFFFF10]  }
0x105: {  	[tilespmem:s12+$0xFFFFFE90] =	vst v1;
	v1 =	vld [tilespmem:s12+$0xFFFFFF50]  }
0x106: {  	v7 =	vld [tilespmem:s24+$0xFFFFFF50];
	v4 =	vadd.f32 v4, v5  }
0x107: {  	v0 =	vadd.f32 v6, v0;
	v5 =	vld [tilespmem:s12+$0xFFFFFF90]  }
0x108: {  	[tilespmem:s12+$0xFFFFFFE0] =	vst v4;
	v4 =	vld [tilespmem:s12+$0xFFFFFFF0]  }
0x109: {  	[tilespmem:s12+$0xFFFFFED0] =	vst v0;
	v0 =	vadd.f32 v3, v2;
	v2 =	vld [tilespmem:s24+$0xFFFFFFF0]  }
0x10a: {  	v3 =	vld [tilespmem:s24+$0xFFFFFF90]  }
0x10b: {  	v6 =	vld [tilespmem:s12+$0xFFFFFE10];
	[tilespmem:s12+$0xFFFFFF10] =	vst v0;
	v0 =	vadd.f32 v7, v1  }
0x10c: {  	v1 =	vld [tilespmem:s24+$0xFFFFFE60]  }
0x10d: {  	v7 =	vld [tilespmem:s24+$0xFFFFFEA0];
	[tilespmem:s12+$0xFFFFFF50] =	vst v0  }
0x10e: {  	v0 =	vld [tilespmem:s24+$0xFFFFFEE0];
	v2 =	vadd.f32 v2, v4  }
0x10f: {  	v4 =	vld [tilespmem:s24+$0xFFFFFF20];
	v3 =	vadd.f32 v3, v5  }
0x110: {  	v5 =	vadd.f32 v8, v6;
	[tilespmem:s12+$0xFFFFFFF0] =	vst v2;
	v2 =	vld [tilespmem:s12+$0x0]  }
0x111: {  	[tilespmem:s12+$0xFFFFFF90] =	vst v3;
	v3 =	vld [tilespmem:s24+$0x0]  }
0x112: {  	[tilespmem:s12+$0xFFFFFE10] =	vst v5;
	v5 =	vld [tilespmem:s24+$0xFFFFFF60]  }
0x113: {  	v6 =	vld [tilespmem:s24+$0xFFFFFE20]  }
0x114: {  	v8 =	vld [tilespmem:s24+$0xFFFFFFA0]  }
0x115: {  	v9 =	vld [tilespmem:s12+$0xFFFFFE20]  }
0x116: {  	v10 =	vld [tilespmem:s12+$0xFFFFFE60];
	v2 =	vadd.f32 v3, v2  }
0x117: {  	v3 =	vld [tilespmem:s12+$0xFFFFFEA0]  }
0x118: {  	v11 =	vld [tilespmem:s12+$0xFFFFFEE0];
	[tilespmem:s12+$0x0] =	vst v2  }
0x119: {  	v2 =	vld [tilespmem:s12+$0xFFFFFF20]  }
0x11a: {  	v6 =	vadd.f32 v6, v9;
	v9 =	vld [tilespmem:s12+$0xFFFFFF60]  }
0x11b: {  	v1 =	vadd.f32 v1, v10;
	v10 =	vld [tilespmem:s12+$0xFFFFFFA0]  }
0x11c: {  	[tilespmem:s12+$0xFFFFFE20] =	vst v6;
	v6 =	vld [tilespmem:s12+$0xFFFFFE30];
	v3 =	vadd.f32 v7, v3  }
0x11d: {  	v7 =	vld [tilespmem:s24+$0xFFFFFE30];
	[tilespmem:s12+$0xFFFFFE60] =	vst v1;
	v0 =	vadd.f32 v0, v11  }
0x11e: {  	v1 =	vld [tilespmem:s24+$0xFFFFFE70];
	[tilespmem:s12+$0xFFFFFEA0] =	vst v3;
	v2 =	vadd.f32 v4, v2  }
0x11f: {  	v3 =	vld [tilespmem:s24+$0xFFFFFEB0];
	[tilespmem:s12+$0xFFFFFEE0] =	vst v0;
	v0 =	vadd.f32 v5, v9  }
0x120: {  	v4 =	vld [tilespmem:s24+$0xFFFFFEF0];
	[tilespmem:s12+$0xFFFFFF20] =	vst v2;
	v2 =	vadd.f32 v8, v10  }
0x121: {  	v5 =	vld [tilespmem:s24+$0xFFFFFF30];
	[tilespmem:s12+$0xFFFFFF60] =	vst v0  }
0x122: {  	v0 =	vadd.f32 v7, v6;
	v6 =	vld [tilespmem:s24+$0xFFFFFF70];
	[tilespmem:s12+$0xFFFFFFA0] =	vst v2  }
0x123: {  	v2 =	vld [tilespmem:s24+$0xFFFFFFB0]  }
0x124: {  	[tilespmem:s12+$0xFFFFFE30] =	vst v0;
	v0 =	vld [tilespmem:s12+$0xFFFFFE70]  }
0x125: {  	v7 =	vld [tilespmem:s12+$0xFFFFFEB0]  }
0x126: {  	v8 =	vld [tilespmem:s12+$0xFFFFFEF0]  }
0x127: {  	v9 =	vld [tilespmem:s12+$0xFFFFFF30]  }
0x128: {  	v10 =	vld [tilespmem:s12+$0xFFFFFF70]  }
0x129: {  	v0 =	vadd.f32 v1, v0;
	v11 =	vld [tilespmem:s12+$0xFFFFFFB0]  }
0x12a: {  	v12 =	vld [tilespmem:s24+$0xFFFFFE40];
	v1 =	vadd.f32 v3, v7  }
0x12b: {  	v3 =	vld [tilespmem:s12+$0xFFFFFE40];
	[tilespmem:s12+$0xFFFFFE70] =	vst v0;
	v0 =	vadd.f32 v4, v8  }
0x12c: {  	v13 =	vld [tilespmem:s24+$0xFFFFFE80];
	[tilespmem:s12+$0xFFFFFEB0] =	vst v1;
	v5 =	vadd.f32 v5, v9  }
0x12d: {  	v4 =	vld [tilespmem:s24+$0xFFFFFEC0];
	[tilespmem:s12+$0xFFFFFEF0] =	vst v0;
	v0 =	vadd.f32 v6, v10  }
0x12e: {  	v1 =	vld [tilespmem:s24+$0xFFFFFF00];
	[tilespmem:s12+$0xFFFFFF30] =	vst v5;
	v5 =	vadd.f32 v2, v11  }
0x12f: {  	v2 =	vld [tilespmem:s24+$0xFFFFFF40];
	[tilespmem:s12+$0xFFFFFF70] =	vst v0  }
0x130: {  	v6 =	vadd.f32 v12, v3;
	v3 =	vld [tilespmem:s24+$0xFFFFFF80];
	[tilespmem:s12+$0xFFFFFFB0] =	vst v5  }
0x131: {  	v0 =	vld [tilespmem:s24+$0xFFFFFFC0]  }
0x132: {  	[tilespmem:s12+$0xFFFFFE40] =	vst v6;
	v6 =	vld [tilespmem:s12+$0xFFFFFE80]  }
.Ltmp1:
0x133: {  	v9 =	vld [tilespmem:s12+$0xFFFFFEC0];
	(pc) =	sbr.rel @p1 .LBB2_5-.Ltmp1, $4  }
0x134: {  	v8 =	vld [tilespmem:s12+$0xFFFFFF00]  }
0x135: {  	v7 =	vld [tilespmem:s12+$0xFFFFFF40]  }
0x136: {  	v5 =	vld [tilespmem:s12+$0xFFFFFF80]  }
0x137: {  	s12 =	sadd.s32 $0x200, s12;
	v10 =	vadd.f32 v13, v6;
	v6 =	vld [tilespmem:s6+$0xFFFFFFC0]  }
0x138: {  	v4 =	vadd.f32 v4, v9  }
0x139: {  	[tilespmem:s6+$0xFFFFFE80] =	vst v10;
	v1 =	vadd.f32 v1, v8  }
0x13a: {  	[tilespmem:s6+$0xFFFFFEC0] =	vst v4;
	v2 =	vadd.f32 v2, v7  }
0x13b: {  	s9 =	sadd.s32 s4, s9;
	[tilespmem:s6+$0xFFFFFF00] =	vst v1;
	v1 =	vadd.f32 v3, v5  }
0x13c: {  	s9 =	sshll.u32 s9, $0x3;
	[tilespmem:s6+$0xFFFFFF40] =	vst v2;
	v0 =	vadd.f32 v0, v6  }
0x13d: {  	s9 =	sand.u32 $0x1FFFFA00, s9;
	[tilespmem:s6+$0xFFFFFF80] =	vst v1  }
0x13e: {  	s25 =	sadd.s32 s2, s9;
	[tilespmem:s6+$0xFFFFFFC0] =	vst v0;
	s6 =	simm.s32 @!p0 $0x6  }
0x13f: {  	[hbm4b:s25+s3] =	stream.linear.scatter [tilespmem:s13], [sflag:$0x6], $0x1000, $0x38;
	[tilespmem:$0x9B00] =	vst v63  }
0x140: {  	_ =	swait.ge @!p0 [sflag:s6], $0x1000  }
0x141: {  	s12 =	simm.s32 @!p0 $0x2900;
	[sflag:s6] =	ssyncset.done @!p0 $0x0  }
0x142: {  	s9 =	simm.s32 @!p0 $0x40;
	[sflag:s6] =	ssyncadd.s32 @!p0 $0xFFFFF000;
	s6 =	sadd.s32 @!p0 $0x140, s23  }
0x143: {  	[tilespmem:s12], [sflag:$0x2] =	stream.indirect.gather @!p0 [hbm4b:s5+s9], $0x40, s6, s9, $0xb8;
	[tilespmem:$0x9B00] =	vst v63  }
0x144: {  	_ =	swait.ge [sflag:s19], $0x1000  }
0x145: {  	[sflag:s19] =	ssyncset.done $0x0  }
0x146: {  	s6 =	simm.s32 $0x3AF0;
	[sflag:s19] =	ssyncadd.s32 $0xFFFFF000  }
0x147: {  	v0 =	vld [tilespmem:s6+$0xFFFFFFD0]  }
0x148: {  	v1 =	vld [tilespmem:s21+$0xFFFFFFD0]  }
0x149: {  	v2 =	vld [tilespmem:s21+$0xFFFFFE10]  }
0x14a: {  	v3 =	vld [tilespmem:s6+$0xFFFFFE50]  }
0x14b: {  	v4 =	vld [tilespmem:s6+$0xFFFFFE90]  }
0x14c: {  	v6 =	vld [tilespmem:s21+$0xFFFFFE90]  }
0x14d: {  	v7 =	vld [tilespmem:s6+$0xFFFFFED0]  }
0x14e: {  	v8 =	vld [tilespmem:s21+$0xFFFFFED0]  }
0x14f: {  	v9 =	vld [tilespmem:s6+$0xFFFFFF10]  }
0x150: {  	v10 =	vld [tilespmem:s21+$0xFFFFFF10]  }
0x151: {  	v11 =	vld [tilespmem:s21+$0xFFFFFF50]  }
0x152: {  	v60 =	vld [tilespmem:s6+$0xFFFFFEE0]  }
0x153: {  	v13 =	vld [tilespmem:s6+$0xFFFFFF20]  }
0x154: {  	v61 =	vld [tilespmem:s6+$0xFFFFFEF0]  }
0x155: {  	v62 =	vld [tilespmem:s6+$0xFFFFFF70];
	v0 =	vadd.f32 v1, v0  }
0x156: {  	v1 =	vld [tilespmem:s21+$0xFFFFFE50]  }
0x157: {  	[tilespmem:s6+$0xFFFFFFD0] =	vst v0;
	v0 =	vld [tilespmem:s6+$0xFFFFFFE0]  }
0x158: {  	v5 =	vld [tilespmem:s21+$0xFFFFFFE0]  }
0x159: {  	v63 =	vld [tilespmem:s6+$0xFFFFFE40];
	v4 =	vadd.f32 v6, v4  }
0x15a: {  	v6 =	vld [tilespmem:s21+$0xFFFFFF90]  }
0x15b: {  	[tilespmem:s6+$0xFFFFFE90] =	vst v4;
	v4 =	vadd.f32 v10, v9;
	v10 =	vld [tilespmem:s6+$0xFFFFFE60];
	v1 =	vadd.f32 v1, v3  }
0x15c: {  	v3 =	vld [tilespmem:s6+$0xFFFFFF90]  }
0x15d: {  	[tilespmem:s6+$0xFFFFFE50] =	vst v1;
	v0 =	vadd.f32 v5, v0;
	v5 =	vld [tilespmem:s6+$0xFFFFFF50]  }
0x15e: {  	v1 =	vadd.f32 v8, v7;
	v8 =	vld [tilespmem:s21+$0xFFFFFE60]  }
0x15f: {  	[tilespmem:s6+$0xFFFFFFE0] =	vst v0;
	v0 =	vld [tilespmem:s6+$0xFFFFFFF0]  }
0x160: {  	[tilespmem:s6+$0xFFFFFF10] =	vst v4;
	v12 =	vld [tilespmem:s21+$0xFFFFFFF0]  }
0x161: {  	v9 =	vld [tilespmem:s21+$0xFFFFFF20]  }
0x162: {  	v7 =	vld [tilespmem:s6+$0xFFFFFE10]  }
0x163: {  	[tilespmem:s6+$0xFFFFFED0] =	vst v1;
	v1 =	vld [tilespmem:s21+$0xFFFFFEA0]  }
0x164: {  	v4 =	vld [tilespmem:s21+$0xFFFFFEE0];
	v8 =	vadd.f32 v8, v10  }
0x165: {  	v5 =	vadd.f32 v11, v5;
	v11 =	vld [tilespmem:s6+$0xFFFFFEA0];
	v0 =	vadd.f32 v12, v0  }
0x166: {  	v10 =	vld [tilespmem:s6+$0xFFFFFFA0];
	[tilespmem:s6+$0xFFFFFE60] =	vst v8  }
0x167: {  	v8 =	vld [tilespmem:s21+$0xFFFFFE70];
	[tilespmem:s6+$0xFFFFFFF0] =	vst v0;
	v0 =	vadd.f32 v2, v7  }
0x168: {  	[tilespmem:s6+$0xFFFFFF50] =	vst v5;
	v7 =	vld [tilespmem:s6+$0x0];
	v2 =	vadd.f32 v6, v3  }
0x169: {  	v5 =	vld [tilespmem:s21+$0x0];
	[tilespmem:s6+$0xFFFFFE10] =	vst v0  }
0x16a: {  	v1 =	vadd.f32 v1, v11;
	[tilespmem:s6+$0xFFFFFF90] =	vst v2;
	v2 =	vld [tilespmem:s6+$0xFFFFFE20]  }
0x16b: {  	v3 =	vld [tilespmem:s21+$0xFFFFFE20]  }
0x16c: {  	[tilespmem:s6+$0xFFFFFEA0] =	vst v1;
	v1 =	vadd.f32 v9, v13;
	v6 =	vld [tilespmem:s21+$0xFFFFFFA0]  }
0x16d: {  	v4 =	vadd.f32 v4, v60;
	v0 =	vld [tilespmem:s21+$0xFFFFFF60]  }
0x16e: {  	v9 =	vld [tilespmem:s21+$0xFFFFFEB0];
	[tilespmem:s6+$0xFFFFFF20] =	vst v1  }
0x16f: {  	[tilespmem:s6+$0xFFFFFEE0] =	vst v4;
	v4 =	vld [tilespmem:s21+$0xFFFFFF30]  }
0x170: {  	v2 =	vadd.f32 v3, v2;
	v3 =	vld [tilespmem:s6+$0xFFFFFF60]  }
0x171: {  	v1 =	vadd.f32 v6, v10;
	v10 =	vld [tilespmem:s6+$0xFFFFFEB0]  }
0x172: {  	[tilespmem:s6+$0xFFFFFE20] =	vst v2;
	v2 =	vld [tilespmem:s6+$0xFFFFFE30]  }
0x173: {  	v11 =	vld [tilespmem:s21+$0xFFFFFE30]  }
0x174: {  	v5 =	vadd.f32 v5, v7;
	[tilespmem:s6+$0xFFFFFFA0] =	vst v1;
	v1 =	vld [tilespmem:s6+$0xFFFFFE70]  }
0x175: {  	v7 =	vld [tilespmem:s6+$0xFFFFFF40]  }
0x176: {  	[tilespmem:s6+$0x0] =	vst v5;
	v5 =	vld [tilespmem:s6+$0xFFFFFF80]  }
0x177: {  	v6 =	vld [tilespmem:s21+$0xFFFFFFB0]  }
0x178: {  	v0 =	vadd.f32 v0, v3;
	v3 =	vld [tilespmem:s21+$0xFFFFFEF0];
	v2 =	vadd.f32 v11, v2  }
0x179: {  	v1 =	vadd.f32 v8, v1;
	v8 =	vadd.f32 v9, v10;
	v9 =	vld [tilespmem:s6+$0xFFFFFEC0]  }
0x17a: {  	[tilespmem:s6+$0xFFFFFE30] =	vst v2;
	v2 =	vld [tilespmem:s6+$0xFFFFFFB0]  }
0x17b: {  	[tilespmem:s6+$0xFFFFFF60] =	vst v0;
	v11 =	vld [tilespmem:s6+$0xFFFFFF30]  }
0x17c: {  	v0 =	vld [tilespmem:s21+$0xFFFFFF70];
	[tilespmem:s6+$0xFFFFFE70] =	vst v1  }
0x17d: {  	[tilespmem:s6+$0xFFFFFEB0] =	vst v8;
	v8 =	vld [tilespmem:s6+$0xFFFFFF00]  }
0x17e: {  	v1 =	vadd.f32 v3, v61;
	v14 =	vld [tilespmem:s21+$0xFFFFFE80]  }
0x17f: {  	v10 =	vld [tilespmem:s21+$0xFFFFFE40];
	v6 =	vadd.f32 v6, v2  }
0x180: {  	[tilespmem:s6+$0xFFFFFEF0] =	vst v1;
	v3 =	vadd.f32 v4, v11;
	v4 =	vld [tilespmem:s21+$0xFFFFFEC0]  }
0x181: {  	v0 =	vadd.f32 v0, v62;
	[tilespmem:s6+$0xFFFFFFB0] =	vst v6;
	v6 =	vld [tilespmem:s6+$0xFFFFFE80]  }
0x182: {  	v1 =	vld [tilespmem:s21+$0xFFFFFF00];
	[tilespmem:s6+$0xFFFFFF30] =	vst v3  }
0x183: {  	[tilespmem:s6+$0xFFFFFF70] =	vst v0;
	v2 =	vld [tilespmem:s21+$0xFFFFFF40]  }
0x184: {  	v3 =	vld [tilespmem:s21+$0xFFFFFF80];
	v10 =	vadd.f32 v10, v63  }
0x185: {  	v0 =	vld [tilespmem:s21+$0xFFFFFFC0]  }
0x186: {  	s9 =	sor.u32 $0x80, s22;
	s22 =	simm.s32 $0x0;
	s12 =	simm.s32 $0x3CF0;
	[tilespmem:s6+$0xFFFFFE40] =	vst v10;
	v10 =	vadd.f32 v14, v6;
	v6 =	vld [tilespmem:s6+$0xFFFFFFC0]  }
.LBB2_7:
0x187: {  	v11 =	vld [tilespmem:s12+$0xFFFFFFD0];
	v4 =	vadd.f32 v4, v9;
	s21 =	sadd.s32 $0x200, s21  }
0x188: {  	s22 =	sadd.s32 $0x8, s22;
	v9 =	vld [tilespmem:s21+$0xFFFFFFD0];
	[tilespmem:s6+$0xFFFFFE80] =	vst v10;
	v1 =	vadd.f32 v1, v8  }
0x189: {  	p1 =	slt.u32 s22, $0x38;
	v8 =	vld [tilespmem:s21+$0xFFFFFE10];
	[tilespmem:s6+$0xFFFFFEC0] =	vst v4;
	v2 =	vadd.f32 v2, v7  }
0x18a: {  	v4 =	vld [tilespmem:s12+$0xFFFFFE50];
	[tilespmem:s6+$0xFFFFFF00] =	vst v1;
	v1 =	vadd.f32 v3, v5  }
0x18b: {  	v3 =	vld [tilespmem:s21+$0xFFFFFE50];
	[tilespmem:s6+$0xFFFFFF40] =	vst v2;
	v0 =	vadd.f32 v0, v6  }
0x18c: {  	v2 =	vld [tilespmem:s12+$0xFFFFFE90];
	[tilespmem:s6+$0xFFFFFF80] =	vst v1  }
0x18d: {  	v1 =	vld [tilespmem:s21+$0xFFFFFE90];
	v5 =	vadd.f32 v9, v11;
	[tilespmem:s6+$0xFFFFFFC0] =	vst v0;
	s6 =	smov.u32 s12  }
0x18e: {  	v0 =	vld [tilespmem:s12+$0xFFFFFED0]  }
0x18f: {  	[tilespmem:s12+$0xFFFFFFD0] =	vst v5;
	v5 =	vld [tilespmem:s12+$0xFFFFFFE0]  }
0x190: {  	v3 =	vadd.f32 v3, v4;
	v4 =	vld [tilespmem:s21+$0xFFFFFFE0]  }
0x191: {  	v6 =	vld [tilespmem:s21+$0xFFFFFED0]  }
0x192: {  	[tilespmem:s12+$0xFFFFFE50] =	vst v3;
	v1 =	vadd.f32 v1, v2;
	v2 =	vld [tilespmem:s12+$0xFFFFFF10]  }
0x193: {  	v3 =	vld [tilespmem:s21+$0xFFFFFF10]  }
0x194: {  	[tilespmem:s12+$0xFFFFFE90] =	vst v1;
	v1 =	vld [tilespmem:s12+$0xFFFFFF50]  }
0x195: {  	v7 =	vld [tilespmem:s21+$0xFFFFFF50];
	v4 =	vadd.f32 v4, v5  }
0x196: {  	v0 =	vadd.f32 v6, v0;
	v5 =	vld [tilespmem:s12+$0xFFFFFF90]  }
0x197: {  	[tilespmem:s12+$0xFFFFFFE0] =	vst v4;
	v4 =	vld [tilespmem:s12+$0xFFFFFFF0]  }
0x198: {  	[tilespmem:s12+$0xFFFFFED0] =	vst v0;
	v0 =	vadd.f32 v3, v2;
	v2 =	vld [tilespmem:s21+$0xFFFFFFF0]  }
0x199: {  	v3 =	vld [tilespmem:s21+$0xFFFFFF90]  }
0x19a: {  	v6 =	vld [tilespmem:s12+$0xFFFFFE10];
	[tilespmem:s12+$0xFFFFFF10] =	vst v0;
	v0 =	vadd.f32 v7, v1  }
0x19b: {  	v1 =	vld [tilespmem:s21+$0xFFFFFE60]  }
0x19c: {  	v7 =	vld [tilespmem:s21+$0xFFFFFEA0];
	[tilespmem:s12+$0xFFFFFF50] =	vst v0  }
0x19d: {  	v0 =	vld [tilespmem:s21+$0xFFFFFEE0];
	v2 =	vadd.f32 v2, v4  }
0x19e: {  	v4 =	vld [tilespmem:s21+$0xFFFFFF20];
	v3 =	vadd.f32 v3, v5  }
0x19f: {  	v5 =	vadd.f32 v8, v6;
	[tilespmem:s12+$0xFFFFFFF0] =	vst v2;
	v2 =	vld [tilespmem:s12+$0x0]  }
0x1a0: {  	[tilespmem:s12+$0xFFFFFF90] =	vst v3;
	v3 =	vld [tilespmem:s21+$0x0]  }
0x1a1: {  	[tilespmem:s12+$0xFFFFFE10] =	vst v5;
	v5 =	vld [tilespmem:s21+$0xFFFFFF60]  }
0x1a2: {  	v6 =	vld [tilespmem:s21+$0xFFFFFE20]  }
0x1a3: {  	v8 =	vld [tilespmem:s21+$0xFFFFFFA0]  }
0x1a4: {  	v9 =	vld [tilespmem:s12+$0xFFFFFE20]  }
0x1a5: {  	v10 =	vld [tilespmem:s12+$0xFFFFFE60];
	v2 =	vadd.f32 v3, v2  }
0x1a6: {  	v3 =	vld [tilespmem:s12+$0xFFFFFEA0]  }
0x1a7: {  	v11 =	vld [tilespmem:s12+$0xFFFFFEE0];
	[tilespmem:s12+$0x0] =	vst v2  }
0x1a8: {  	v2 =	vld [tilespmem:s12+$0xFFFFFF20]  }
0x1a9: {  	v6 =	vadd.f32 v6, v9;
	v9 =	vld [tilespmem:s12+$0xFFFFFF60]  }
0x1aa: {  	v1 =	vadd.f32 v1, v10;
	v10 =	vld [tilespmem:s12+$0xFFFFFFA0]  }
0x1ab: {  	[tilespmem:s12+$0xFFFFFE20] =	vst v6;
	v6 =	vld [tilespmem:s12+$0xFFFFFE30];
	v3 =	vadd.f32 v7, v3  }
0x1ac: {  	v7 =	vld [tilespmem:s21+$0xFFFFFE30];
	[tilespmem:s12+$0xFFFFFE60] =	vst v1;
	v0 =	vadd.f32 v0, v11  }
0x1ad: {  	v1 =	vld [tilespmem:s21+$0xFFFFFE70];
	[tilespmem:s12+$0xFFFFFEA0] =	vst v3;
	v2 =	vadd.f32 v4, v2  }
0x1ae: {  	v3 =	vld [tilespmem:s21+$0xFFFFFEB0];
	[tilespmem:s12+$0xFFFFFEE0] =	vst v0;
	v0 =	vadd.f32 v5, v9  }
0x1af: {  	v4 =	vld [tilespmem:s21+$0xFFFFFEF0];
	[tilespmem:s12+$0xFFFFFF20] =	vst v2;
	v2 =	vadd.f32 v8, v10  }
0x1b0: {  	v5 =	vld [tilespmem:s21+$0xFFFFFF30];
	[tilespmem:s12+$0xFFFFFF60] =	vst v0  }
0x1b1: {  	v0 =	vadd.f32 v7, v6;
	v6 =	vld [tilespmem:s21+$0xFFFFFF70];
	[tilespmem:s12+$0xFFFFFFA0] =	vst v2  }
0x1b2: {  	v2 =	vld [tilespmem:s21+$0xFFFFFFB0]  }
0x1b3: {  	[tilespmem:s12+$0xFFFFFE30] =	vst v0;
	v0 =	vld [tilespmem:s12+$0xFFFFFE70]  }
0x1b4: {  	v7 =	vld [tilespmem:s12+$0xFFFFFEB0]  }
0x1b5: {  	v8 =	vld [tilespmem:s12+$0xFFFFFEF0]  }
0x1b6: {  	v9 =	vld [tilespmem:s12+$0xFFFFFF30]  }
0x1b7: {  	v10 =	vld [tilespmem:s12+$0xFFFFFF70]  }
0x1b8: {  	v0 =	vadd.f32 v1, v0;
	v11 =	vld [tilespmem:s12+$0xFFFFFFB0]  }
0x1b9: {  	v12 =	vld [tilespmem:s21+$0xFFFFFE40];
	v1 =	vadd.f32 v3, v7  }
0x1ba: {  	v3 =	vld [tilespmem:s12+$0xFFFFFE40];
	[tilespmem:s12+$0xFFFFFE70] =	vst v0;
	v0 =	vadd.f32 v4, v8  }
0x1bb: {  	v13 =	vld [tilespmem:s21+$0xFFFFFE80];
	[tilespmem:s12+$0xFFFFFEB0] =	vst v1;
	v5 =	vadd.f32 v5, v9  }
0x1bc: {  	v4 =	vld [tilespmem:s21+$0xFFFFFEC0];
	[tilespmem:s12+$0xFFFFFEF0] =	vst v0;
	v0 =	vadd.f32 v6, v10  }
0x1bd: {  	v1 =	vld [tilespmem:s21+$0xFFFFFF00];
	[tilespmem:s12+$0xFFFFFF30] =	vst v5;
	v5 =	vadd.f32 v2, v11  }
0x1be: {  	v2 =	vld [tilespmem:s21+$0xFFFFFF40];
	[tilespmem:s12+$0xFFFFFF70] =	vst v0  }
0x1bf: {  	v6 =	vadd.f32 v12, v3;
	v3 =	vld [tilespmem:s21+$0xFFFFFF80];
	[tilespmem:s12+$0xFFFFFFB0] =	vst v5  }
0x1c0: {  	v0 =	vld [tilespmem:s21+$0xFFFFFFC0]  }
0x1c1: {  	[tilespmem:s12+$0xFFFFFE40] =	vst v6;
	v6 =	vld [tilespmem:s12+$0xFFFFFE80]  }
.Ltmp2:
0x1c2: {  	v9 =	vld [tilespmem:s12+$0xFFFFFEC0];
	(pc) =	sbr.rel @p1 .LBB2_7-.Ltmp2, $4  }
0x1c3: {  	v8 =	vld [tilespmem:s12+$0xFFFFFF00]  }
0x1c4: {  	v7 =	vld [tilespmem:s12+$0xFFFFFF40]  }
0x1c5: {  	v5 =	vld [tilespmem:s12+$0xFFFFFF80]  }
0x1c6: {  	s12 =	sadd.s32 $0x200, s12;
	v10 =	vadd.f32 v13, v6;
	v6 =	vld [tilespmem:s6+$0xFFFFFFC0]  }
0x1c7: {  	v4 =	vadd.f32 v4, v9  }
0x1c8: {  	[tilespmem:s6+$0xFFFFFE80] =	vst v10;
	v1 =	vadd.f32 v1, v8  }
0x1c9: {  	[tilespmem:s6+$0xFFFFFEC0] =	vst v4;
	v2 =	vadd.f32 v2, v7  }
0x1ca: {  	s9 =	sadd.s32 s4, s9;
	[tilespmem:s6+$0xFFFFFF00] =	vst v1;
	v1 =	vadd.f32 v3, v5  }
0x1cb: {  	s9 =	sshll.u32 s9, $0x3;
	[tilespmem:s6+$0xFFFFFF40] =	vst v2;
	v0 =	vadd.f32 v0, v6  }
0x1cc: {  	s9 =	sand.u32 $0x1FFFFC00, s9;
	[tilespmem:s6+$0xFFFFFF80] =	vst v1  }
0x1cd: {  	s25 =	sadd.s32 s2, s9;
	[tilespmem:s6+$0xFFFFFFC0] =	vst v0;
	s6 =	simm.s32 @!p0 $0x7  }
0x1ce: {  	[hbm4b:s25+s3] =	stream.linear.scatter [tilespmem:s14], [sflag:$0x7], $0x1000, $0x38;
	[tilespmem:$0x9B00] =	vst v63  }
0x1cf: {  	_ =	swait.ge @!p0 [sflag:s6], $0x1000  }
0x1d0: {  	s12 =	simm.s32 @!p0 $0x3900;
	[sflag:s6] =	ssyncset.done @!p0 $0x0  }
0x1d1: {  	s9 =	simm.s32 @!p0 $0x40;
	[sflag:s6] =	ssyncadd.s32 @!p0 $0xFFFFF000;
	s6 =	sadd.s32 @!p0 $0x180, s23  }
0x1d2: {  	[tilespmem:s12], [sflag:$0x3] =	stream.indirect.gather @!p0 [hbm4b:s5+s9], $0x40, s6, s9, $0xb8;
	[tilespmem:$0x9B00] =	vst v63  }
0x1d3: {  	_ =	swait.ge [sflag:s20], $0x1000  }
0x1d4: {  	[sflag:s20] =	ssyncset.done $0x0  }
0x1d5: {  	s6 =	simm.s32 $0x4AF0;
	[sflag:s20] =	ssyncadd.s32 $0xFFFFF000  }
0x1d6: {  	v0 =	vld [tilespmem:s6+$0xFFFFFFD0]  }
0x1d7: {  	v1 =	vld [tilespmem:s8+$0xFFFFFFD0]  }
0x1d8: {  	v2 =	vld [tilespmem:s8+$0xFFFFFE10]  }
0x1d9: {  	v3 =	vld [tilespmem:s6+$0xFFFFFE50]  }
0x1da: {  	v4 =	vld [tilespmem:s6+$0xFFFFFE90]  }
0x1db: {  	v6 =	vld [tilespmem:s8+$0xFFFFFE90]  }
0x1dc: {  	v7 =	vld [tilespmem:s6+$0xFFFFFED0]  }
0x1dd: {  	v8 =	vld [tilespmem:s8+$0xFFFFFED0]  }
0x1de: {  	v9 =	vld [tilespmem:s6+$0xFFFFFF10]  }
0x1df: {  	v10 =	vld [tilespmem:s8+$0xFFFFFF10]  }
0x1e0: {  	v11 =	vld [tilespmem:s8+$0xFFFFFF50]  }
0x1e1: {  	v60 =	vld [tilespmem:s6+$0xFFFFFEE0]  }
0x1e2: {  	v13 =	vld [tilespmem:s6+$0xFFFFFF20]  }
0x1e3: {  	v61 =	vld [tilespmem:s6+$0xFFFFFEF0]  }
0x1e4: {  	v62 =	vld [tilespmem:s6+$0xFFFFFF70];
	v0 =	vadd.f32 v1, v0  }
0x1e5: {  	v1 =	vld [tilespmem:s8+$0xFFFFFE50]  }
0x1e6: {  	[tilespmem:s6+$0xFFFFFFD0] =	vst v0;
	v0 =	vld [tilespmem:s6+$0xFFFFFFE0]  }
0x1e7: {  	v5 =	vld [tilespmem:s8+$0xFFFFFFE0]  }
0x1e8: {  	v63 =	vld [tilespmem:s6+$0xFFFFFE40];
	v4 =	vadd.f32 v6, v4  }
0x1e9: {  	v6 =	vld [tilespmem:s8+$0xFFFFFF90]  }
0x1ea: {  	[tilespmem:s6+$0xFFFFFE90] =	vst v4;
	v4 =	vadd.f32 v10, v9;
	v10 =	vld [tilespmem:s6+$0xFFFFFE60];
	v1 =	vadd.f32 v1, v3  }
0x1eb: {  	v3 =	vld [tilespmem:s6+$0xFFFFFF90]  }
0x1ec: {  	[tilespmem:s6+$0xFFFFFE50] =	vst v1;
	v0 =	vadd.f32 v5, v0;
	v5 =	vld [tilespmem:s6+$0xFFFFFF50]  }
0x1ed: {  	v1 =	vadd.f32 v8, v7;
	v8 =	vld [tilespmem:s8+$0xFFFFFE60]  }
0x1ee: {  	[tilespmem:s6+$0xFFFFFFE0] =	vst v0;
	v0 =	vld [tilespmem:s6+$0xFFFFFFF0]  }
0x1ef: {  	[tilespmem:s6+$0xFFFFFF10] =	vst v4;
	v12 =	vld [tilespmem:s8+$0xFFFFFFF0]  }
0x1f0: {  	v9 =	vld [tilespmem:s8+$0xFFFFFF20]  }
0x1f1: {  	v7 =	vld [tilespmem:s6+$0xFFFFFE10]  }
0x1f2: {  	[tilespmem:s6+$0xFFFFFED0] =	vst v1;
	v1 =	vld [tilespmem:s8+$0xFFFFFEA0]  }
0x1f3: {  	v4 =	vld [tilespmem:s8+$0xFFFFFEE0];
	v8 =	vadd.f32 v8, v10  }
0x1f4: {  	v5 =	vadd.f32 v11, v5;
	v11 =	vld [tilespmem:s6+$0xFFFFFEA0];
	v0 =	vadd.f32 v12, v0  }
0x1f5: {  	v10 =	vld [tilespmem:s6+$0xFFFFFFA0];
	[tilespmem:s6+$0xFFFFFE60] =	vst v8  }
0x1f6: {  	v8 =	vld [tilespmem:s8+$0xFFFFFE70];
	[tilespmem:s6+$0xFFFFFFF0] =	vst v0;
	v0 =	vadd.f32 v2, v7  }
0x1f7: {  	[tilespmem:s6+$0xFFFFFF50] =	vst v5;
	v7 =	vld [tilespmem:s6+$0x0];
	v2 =	vadd.f32 v6, v3  }
0x1f8: {  	v5 =	vld [tilespmem:s8+$0x0];
	[tilespmem:s6+$0xFFFFFE10] =	vst v0  }
0x1f9: {  	v1 =	vadd.f32 v1, v11;
	[tilespmem:s6+$0xFFFFFF90] =	vst v2;
	v2 =	vld [tilespmem:s6+$0xFFFFFE20]  }
0x1fa: {  	v3 =	vld [tilespmem:s8+$0xFFFFFE20]  }
0x1fb: {  	[tilespmem:s6+$0xFFFFFEA0] =	vst v1;
	v1 =	vadd.f32 v9, v13;
	v6 =	vld [tilespmem:s8+$0xFFFFFFA0]  }
0x1fc: {  	v4 =	vadd.f32 v4, v60;
	v0 =	vld [tilespmem:s8+$0xFFFFFF60]  }
0x1fd: {  	v9 =	vld [tilespmem:s8+$0xFFFFFEB0];
	[tilespmem:s6+$0xFFFFFF20] =	vst v1  }
0x1fe: {  	[tilespmem:s6+$0xFFFFFEE0] =	vst v4;
	v4 =	vld [tilespmem:s8+$0xFFFFFF30]  }
0x1ff: {  	v2 =	vadd.f32 v3, v2;
	v3 =	vld [tilespmem:s6+$0xFFFFFF60]  }
0x200: {  	v1 =	vadd.f32 v6, v10;
	v10 =	vld [tilespmem:s6+$0xFFFFFEB0]  }
0x201: {  	[tilespmem:s6+$0xFFFFFE20] =	vst v2;
	v2 =	vld [tilespmem:s6+$0xFFFFFE30]  }
0x202: {  	v11 =	vld [tilespmem:s8+$0xFFFFFE30]  }
0x203: {  	v5 =	vadd.f32 v5, v7;
	[tilespmem:s6+$0xFFFFFFA0] =	vst v1;
	v1 =	vld [tilespmem:s6+$0xFFFFFE70]  }
0x204: {  	v7 =	vld [tilespmem:s6+$0xFFFFFF40]  }
0x205: {  	[tilespmem:s6+$0x0] =	vst v5;
	v5 =	vld [tilespmem:s6+$0xFFFFFF80]  }
0x206: {  	v6 =	vld [tilespmem:s8+$0xFFFFFFB0]  }
0x207: {  	v0 =	vadd.f32 v0, v3;
	v3 =	vld [tilespmem:s8+$0xFFFFFEF0];
	v2 =	vadd.f32 v11, v2  }
0x208: {  	v1 =	vadd.f32 v8, v1;
	v8 =	vadd.f32 v9, v10;
	v9 =	vld [tilespmem:s6+$0xFFFFFEC0]  }
0x209: {  	[tilespmem:s6+$0xFFFFFE30] =	vst v2;
	v2 =	vld [tilespmem:s6+$0xFFFFFFB0]  }
0x20a: {  	[tilespmem:s6+$0xFFFFFF60] =	vst v0;
	v11 =	vld [tilespmem:s6+$0xFFFFFF30]  }
0x20b: {  	v0 =	vld [tilespmem:s8+$0xFFFFFF70];
	[tilespmem:s6+$0xFFFFFE70] =	vst v1  }
0x20c: {  	[tilespmem:s6+$0xFFFFFEB0] =	vst v8;
	v8 =	vld [tilespmem:s6+$0xFFFFFF00]  }
0x20d: {  	v1 =	vadd.f32 v3, v61;
	v14 =	vld [tilespmem:s8+$0xFFFFFE80]  }
0x20e: {  	v10 =	vld [tilespmem:s8+$0xFFFFFE40];
	v6 =	vadd.f32 v6, v2  }
0x20f: {  	[tilespmem:s6+$0xFFFFFEF0] =	vst v1;
	v3 =	vadd.f32 v4, v11;
	v4 =	vld [tilespmem:s8+$0xFFFFFEC0]  }
0x210: {  	v0 =	vadd.f32 v0, v62;
	[tilespmem:s6+$0xFFFFFFB0] =	vst v6;
	v6 =	vld [tilespmem:s6+$0xFFFFFE80]  }
0x211: {  	v1 =	vld [tilespmem:s8+$0xFFFFFF00];
	[tilespmem:s6+$0xFFFFFF30] =	vst v3  }
0x212: {  	[tilespmem:s6+$0xFFFFFF70] =	vst v0;
	v2 =	vld [tilespmem:s8+$0xFFFFFF40]  }
0x213: {  	v3 =	vld [tilespmem:s8+$0xFFFFFF80];
	v10 =	vadd.f32 v10, v63  }
0x214: {  	v0 =	vld [tilespmem:s8+$0xFFFFFFC0]  }
0x215: {  	s9 =	simm.s32 $0x0;
	s12 =	simm.s32 $0x4CF0;
	[tilespmem:s6+$0xFFFFFE40] =	vst v10;
	v10 =	vadd.f32 v14, v6;
	v6 =	vld [tilespmem:s6+$0xFFFFFFC0]  }
.LBB2_9:
0x216: {  	v11 =	vld [tilespmem:s12+$0xFFFFFFD0];
	v4 =	vadd.f32 v4, v9;
	s8 =	sadd.s32 $0x200, s8  }
0x217: {  	s9 =	sadd.s32 $0x8, s9;
	v9 =	vld [tilespmem:s8+$0xFFFFFFD0];
	[tilespmem:s6+$0xFFFFFE80] =	vst v10;
	v1 =	vadd.f32 v1, v8  }
0x218: {  	p0 =	slt.u32 s9, $0x38;
	v8 =	vld [tilespmem:s8+$0xFFFFFE10];
	[tilespmem:s6+$0xFFFFFEC0] =	vst v4;
	v2 =	vadd.f32 v2, v7  }
0x219: {  	v4 =	vld [tilespmem:s12+$0xFFFFFE50];
	[tilespmem:s6+$0xFFFFFF00] =	vst v1;
	v1 =	vadd.f32 v3, v5  }
0x21a: {  	v3 =	vld [tilespmem:s8+$0xFFFFFE50];
	[tilespmem:s6+$0xFFFFFF40] =	vst v2;
	v0 =	vadd.f32 v0, v6  }
0x21b: {  	v2 =	vld [tilespmem:s12+$0xFFFFFE90];
	[tilespmem:s6+$0xFFFFFF80] =	vst v1  }
0x21c: {  	v1 =	vld [tilespmem:s8+$0xFFFFFE90];
	v5 =	vadd.f32 v9, v11;
	[tilespmem:s6+$0xFFFFFFC0] =	vst v0;
	s6 =	smov.u32 s12  }
0x21d: {  	v0 =	vld [tilespmem:s12+$0xFFFFFED0]  }
0x21e: {  	[tilespmem:s12+$0xFFFFFFD0] =	vst v5;
	v5 =	vld [tilespmem:s12+$0xFFFFFFE0]  }
0x21f: {  	v3 =	vadd.f32 v3, v4;
	v4 =	vld [tilespmem:s8+$0xFFFFFFE0]  }
0x220: {  	v6 =	vld [tilespmem:s8+$0xFFFFFED0]  }
0x221: {  	[tilespmem:s12+$0xFFFFFE50] =	vst v3;
	v1 =	vadd.f32 v1, v2;
	v2 =	vld [tilespmem:s12+$0xFFFFFF10]  }
0x222: {  	v3 =	vld [tilespmem:s8+$0xFFFFFF10]  }
0x223: {  	[tilespmem:s12+$0xFFFFFE90] =	vst v1;
	v1 =	vld [tilespmem:s12+$0xFFFFFF50]  }
0x224: {  	v7 =	vld [tilespmem:s8+$0xFFFFFF50];
	v4 =	vadd.f32 v4, v5  }
0x225: {  	v0 =	vadd.f32 v6, v0;
	v5 =	vld [tilespmem:s12+$0xFFFFFF90]  }
0x226: {  	[tilespmem:s12+$0xFFFFFFE0] =	vst v4;
	v4 =	vld [tilespmem:s12+$0xFFFFFFF0]  }
0x227: {  	[tilespmem:s12+$0xFFFFFED0] =	vst v0;
	v0 =	vadd.f32 v3, v2;
	v2 =	vld [tilespmem:s8+$0xFFFFFFF0]  }
0x228: {  	v3 =	vld [tilespmem:s8+$0xFFFFFF90]  }
0x229: {  	v6 =	vld [tilespmem:s12+$0xFFFFFE10];
	[tilespmem:s12+$0xFFFFFF10] =	vst v0;
	v0 =	vadd.f32 v7, v1  }
0x22a: {  	v1 =	vld [tilespmem:s8+$0xFFFFFE60]  }
0x22b: {  	v7 =	vld [tilespmem:s8+$0xFFFFFEA0];
	[tilespmem:s12+$0xFFFFFF50] =	vst v0  }
0x22c: {  	v0 =	vld [tilespmem:s8+$0xFFFFFEE0];
	v2 =	vadd.f32 v2, v4  }
0x22d: {  	v4 =	vld [tilespmem:s8+$0xFFFFFF20];
	v3 =	vadd.f32 v3, v5  }
0x22e: {  	v5 =	vadd.f32 v8, v6;
	[tilespmem:s12+$0xFFFFFFF0] =	vst v2;
	v2 =	vld [tilespmem:s12+$0x0]  }
0x22f: {  	[tilespmem:s12+$0xFFFFFF90] =	vst v3;
	v3 =	vld [tilespmem:s8+$0x0]  }
0x230: {  	[tilespmem:s12+$0xFFFFFE10] =	vst v5;
	v5 =	vld [tilespmem:s8+$0xFFFFFF60]  }
0x231: {  	v6 =	vld [tilespmem:s8+$0xFFFFFE20]  }
0x232: {  	v8 =	vld [tilespmem:s8+$0xFFFFFFA0]  }
0x233: {  	v9 =	vld [tilespmem:s12+$0xFFFFFE20]  }
0x234: {  	v10 =	vld [tilespmem:s12+$0xFFFFFE60];
	v2 =	vadd.f32 v3, v2  }
0x235: {  	v3 =	vld [tilespmem:s12+$0xFFFFFEA0]  }
0x236: {  	v11 =	vld [tilespmem:s12+$0xFFFFFEE0];
	[tilespmem:s12+$0x0] =	vst v2  }
0x237: {  	v2 =	vld [tilespmem:s12+$0xFFFFFF20]  }
0x238: {  	v6 =	vadd.f32 v6, v9;
	v9 =	vld [tilespmem:s12+$0xFFFFFF60]  }
0x239: {  	v1 =	vadd.f32 v1, v10;
	v10 =	vld [tilespmem:s12+$0xFFFFFFA0]  }
0x23a: {  	[tilespmem:s12+$0xFFFFFE20] =	vst v6;
	v6 =	vld [tilespmem:s12+$0xFFFFFE30];
	v3 =	vadd.f32 v7, v3  }
0x23b: {  	v7 =	vld [tilespmem:s8+$0xFFFFFE30];
	[tilespmem:s12+$0xFFFFFE60] =	vst v1;
	v0 =	vadd.f32 v0, v11  }
0x23c: {  	v1 =	vld [tilespmem:s8+$0xFFFFFE70];
	[tilespmem:s12+$0xFFFFFEA0] =	vst v3;
	v2 =	vadd.f32 v4, v2  }
0x23d: {  	v3 =	vld [tilespmem:s8+$0xFFFFFEB0];
	[tilespmem:s12+$0xFFFFFEE0] =	vst v0;
	v0 =	vadd.f32 v5, v9  }
0x23e: {  	v4 =	vld [tilespmem:s8+$0xFFFFFEF0];
	[tilespmem:s12+$0xFFFFFF20] =	vst v2;
	v2 =	vadd.f32 v8, v10  }
0x23f: {  	v5 =	vld [tilespmem:s8+$0xFFFFFF30];
	[tilespmem:s12+$0xFFFFFF60] =	vst v0  }
0x240: {  	v0 =	vadd.f32 v7, v6;
	v6 =	vld [tilespmem:s8+$0xFFFFFF70];
	[tilespmem:s12+$0xFFFFFFA0] =	vst v2  }
0x241: {  	v2 =	vld [tilespmem:s8+$0xFFFFFFB0]  }
0x242: {  	[tilespmem:s12+$0xFFFFFE30] =	vst v0;
	v0 =	vld [tilespmem:s12+$0xFFFFFE70]  }
0x243: {  	v7 =	vld [tilespmem:s12+$0xFFFFFEB0]  }
0x244: {  	v8 =	vld [tilespmem:s12+$0xFFFFFEF0]  }
0x245: {  	v9 =	vld [tilespmem:s12+$0xFFFFFF30]  }
0x246: {  	v10 =	vld [tilespmem:s12+$0xFFFFFF70]  }
0x247: {  	v0 =	vadd.f32 v1, v0;
	v11 =	vld [tilespmem:s12+$0xFFFFFFB0]  }
0x248: {  	v12 =	vld [tilespmem:s8+$0xFFFFFE40];
	v1 =	vadd.f32 v3, v7  }
0x249: {  	v3 =	vld [tilespmem:s12+$0xFFFFFE40];
	[tilespmem:s12+$0xFFFFFE70] =	vst v0;
	v0 =	vadd.f32 v4, v8  }
0x24a: {  	v13 =	vld [tilespmem:s8+$0xFFFFFE80];
	[tilespmem:s12+$0xFFFFFEB0] =	vst v1;
	v5 =	vadd.f32 v5, v9  }
0x24b: {  	v4 =	vld [tilespmem:s8+$0xFFFFFEC0];
	[tilespmem:s12+$0xFFFFFEF0] =	vst v0;
	v0 =	vadd.f32 v6, v10  }
0x24c: {  	v1 =	vld [tilespmem:s8+$0xFFFFFF00];
	[tilespmem:s12+$0xFFFFFF30] =	vst v5;
	v5 =	vadd.f32 v2, v11  }
0x24d: {  	v2 =	vld [tilespmem:s8+$0xFFFFFF40];
	[tilespmem:s12+$0xFFFFFF70] =	vst v0  }
0x24e: {  	v6 =	vadd.f32 v12, v3;
	v3 =	vld [tilespmem:s8+$0xFFFFFF80];
	[tilespmem:s12+$0xFFFFFFB0] =	vst v5  }
0x24f: {  	v0 =	vld [tilespmem:s8+$0xFFFFFFC0]  }
0x250: {  	[tilespmem:s12+$0xFFFFFE40] =	vst v6;
	v6 =	vld [tilespmem:s12+$0xFFFFFE80]  }
.Ltmp3:
0x251: {  	v9 =	vld [tilespmem:s12+$0xFFFFFEC0];
	(pc) =	sbr.rel @p0 .LBB2_9-.Ltmp3, $4  }
0x252: {  	v8 =	vld [tilespmem:s12+$0xFFFFFF00]  }
0x253: {  	v7 =	vld [tilespmem:s12+$0xFFFFFF40]  }
0x254: {  	v5 =	vld [tilespmem:s12+$0xFFFFFF80]  }
0x255: {  	s12 =	sadd.s32 $0x200, s12;
	v10 =	vadd.f32 v13, v6;
	v6 =	vld [tilespmem:s6+$0xFFFFFFC0]  }
0x256: {  	v4 =	vadd.f32 v4, v9  }
0x257: {  	s11 =	sadd.s32 $0x1, s11;
	[tilespmem:s6+$0xFFFFFE80] =	vst v10;
	v1 =	vadd.f32 v1, v8  }
0x258: {  	s7 =	sadd.s32 s4, s7;
	p0 =	sne.s32 s11, $0x19;
	[tilespmem:s6+$0xFFFFFEC0] =	vst v4;
	v2 =	vadd.f32 v2, v7  }
.Ltmp4:
0x259: {  	s28 =	sadd.s32 $0x4000, s28;
	s10 =	sadd.s32 $0x100, s10;
	[tilespmem:s6+$0xFFFFFF00] =	vst v1;
	v63 =	vadd.f32 v3, v5;
	(pc) =	sbr.rel @p0 .LBB2_2-.Ltmp4, $4  }
0x25a: {  	s29 =	sadd.s32 $0x4000, s29;
	s0 =	sadd.s32 $0x100, s0;
	s7 =	sshll.u32 s7, $0x3;
	[tilespmem:s6+$0xFFFFFF40] =	vst v2;
	v0 =	vadd.f32 v0, v6  }
0x25b: {  	s30 =	sadd.s32 $0x4000, s30;
	s26 =	sadd.s32 $0x100, s26;
	s7 =	sand.u32 $0x1FFFFE00, s7;
	[tilespmem:s6+$0xFFFFFF80] =	vst v63  }
0x25c: {  	s31 =	sadd.s32 $0x4000, s31;
	s1 =	sadd.s32 $0x100, s1;
	s25 =	sadd.s32 s2, s7;
	[tilespmem:s6+$0xFFFFFFC0] =	vst v0  }
0x25d: {  	[hbm4b:s25+s3] =	stream.linear.scatter [tilespmem:s16], [sflag:$0x8], $0x1000, $0x38;
	[tilespmem:$0x9B00] =	vst v63  }
0x25e: {  	s0 =	simm.s32 $0x5  }
0x25f: {  	_ =	swait.ge [sflag:s0], $0x1000  }
0x260: {  	[sflag:s0] =	ssyncset.done $0x0  }
0x261: {  	s29 =	simm.s32 $0x6;
	[sflag:s0] =	ssyncadd.s32 $0xFFFFF000  }
0x262: {  	_ =	swait.ge [sflag:s29], $0x1000  }
0x263: {  	[sflag:s29] =	ssyncset.done $0x0  }
0x264: {  	s30 =	simm.s32 $0x7;
	[sflag:s29] =	ssyncadd.s32 $0xFFFFF000  }
0x265: {  	_ =	swait.ge [sflag:s30], $0x1000  }
0x266: {  	[sflag:s30] =	ssyncset.done $0x0  }
0x267: {  	s1 =	simm.s32 $0x8;
	[sflag:s30] =	ssyncadd.s32 $0xFFFFF000  }
0x268: {  	_ =	swait.ge [sflag:s1], $0x1000  }
0x269: {  	s6 =	rddreg [dreg:$0x6]  }
0x26a: {  	s31 =	rddreg [dreg:$0x5];
	s6 =	sadd.s32 $0x1, s6  }
0x26b: {  	p0 =	sne.s32 s6, s31  }
.Ltmp5:
0x26c: {  	_ = 	snop;
	(pc) =	sbr.rel @p0 .LBB2_1-.Ltmp5, $3  }
0x26d: {  	_ =	sdelay $0x1  }
0x26e: {  	[sflag:s1] =	ssyncset.done $0x0  }
0x26f: {  	[sflag:s1] =	ssyncadd.s32 $0xFFFFF000  }
0x270: {  	_ =	sfence.sel $0x180000  }
0x271: {  	[bflag:$0x0] =	sbarrier.arrive $0xFFFF  }
0x272: {  	_ =	strace $0x90000047  }
0x273: {  	s0 =	stileid.u32;
	[bflag:$0x2] =	sbarrier.arrive $0xFFFF  }
0x274: {  	p0 =	sne.s32 s0, $0x0;
	s0 =	rddreg [dreg:$0x2]  }
0x275: {  	s0 =	sadd.s32 @!p0 $0x100000, s0  }
0x276: {  	[sflag:s0] =	ssyncadd.tile.s32 @!p0 $0x1;
	_ =	shalt  }
.Lfunc_end2:
_tile_overlayer_lowered:
.L_overlay_start_2:
0x277: {  	(tag) =	ssettag $0x2  }
0x278: {  	s0 =	rddreg [dreg:$0x0];
	s2 =	stileid.u32  }
0x279: {  	s1 =	rddreg [dreg:$0x1];
	p0 =	sne.s32 s2, $0x0  }
0x27a: {  	s3 =	rddreg [dreg:$0x2];
	[bflag:$0x3] =	sbarrier.arrive $0xFFFF;
	s2 =	simm.s32 @!p0 $0x1C09  }
0x27b: {  	[timem:s3], [sflag:s2] =	dma.local @!p0 [hbm:s0], s1  }
0x27c: {  	s0 =	simm.s32 @!p0 $0x9  }
0x27d: {  	_ =	swait.ge @!p0 [sflag:s0], s1  }
0x27e: {  	s1 =	ssub.s32 @!p0 $0x0, s1;
	[sflag:s0] =	ssyncset.done @!p0 $0x0  }
0x27f: {  	[sflag:s0] =	ssyncadd.s32 @!p0 s1  }
0x280: {  	[bflag:$0x3] =	sbarrier.arrive $0xFFFF  }
0x281: {  	_ =	shalt  }

// kernel: sparse-core-data-format-call.cloned.1.call-start
scs
called_computation_lowered:
.L_overlay_start_0:
0x0: {  	s2 =	sld [smem:$0x3FD9]  }
0x1: {  	s3 =	sld [smem:$0x3FFE];
	_ =	sdelay $0x1  }
0x2: {  	s1 =	srdreg.scid  }
0x3: {  	s0 =	sand.u32 $0x1, s1  }
0x4: {  	s18 =	sshll.u32 s0, $0xA;
	s2 =	sadd.s32 s3, s2  }
0x5: {  	s2 =	sadd.s32 s2, s18  }
0x6: {  	[smem:$0x3FC5] =	sst s2  }
0x7: {  	_ = 	snop  }
0x8: {  	s2 =	sld [smem:$0x3FD0];
	(tm) =	ssettm $0x1  }
0x9: {  	s19 =	sld [smem:$0x3FFB];
	_ =	sdelay $0x3  }
0xa: {  	_ =	strace s19  }
0xb: {  	s3 =	sld [smem:$0x3FFC];
	_ =	sdelay $0x3  }
0xc: {  	_ =	strace s3  }
0xd: {  	s3 =	sld [smem:$0x3FFD];
	_ =	sdelay $0x3  }
0xe: {  	_ =	strace s3  }
0xf: {  	_ =	strace $0x8FFFFFFF  }
0x10: {  	s20 =	sld [smem:$0x3FDB];
	_ =	sdelay $0x1  }
0x11: {  	s4 =	simm.s32 $_scs_section_size  }
0x12: {  	s5 =	simm.s32 $_size__tile_overlayer_lowered;
	s6 =	simm.s32 $_tile_overlayer_lowered  }
0x13: {  	s23 =	simm.s32 $0x1BFF;
	s22 =	sshll.u32 s6, $0x1;
	s3 =	sadd.s32 s4, s20  }
0x14: {  	s7 =	simm.s32 $0x0;
	s21 =	sshll.u32 s5, $0x1;
	s5 =	sadd.s32 s22, s3  }
0x15: {  	[timem:s7], [sflag:s23] =	dma.local [hbm:s5], s21  }
0x16: {  	_ =	swait.ge [sflag:s23], s21  }
0x17: {  	s4 =	ssub.s32 $0x0, s21;
	[sflag:s23] =	ssyncset.done $0x0  }
0x18: {  	[sflag:s23] =	ssyncadd.s32 s4;
	_ =	sdelay $0x1  }
0x19: {  	s24 =	simm.s32 $0x1B8B  }
0x1a: {  	_ =	swait.ge [sflag:s24], $0x1  }
0x1b: {  	[sflag:s24] =	ssyncset.done $0x0  }
0x1c: {  	s26 =	simm.s32 $0x1B8E;
	s25 =	sld [smem:$0x3FFE];
	[sflag:s24] =	ssyncadd.s32 $0xFFFFFFFF  }
0x1d: {  	s27 =	simm.s32 $execute0_lowered;
	[smem:$0x3FD2] =	sst s26  }
0x1e: {  	s5 =	sshll.u32 s27, $0x1;
	_ =	strace $0x80000049;
	[dreg:$0x1] =	wrdreg $0xFFFFFFFF  }
0x1f: {  	s28 =	simm.s32 $_size_execute0_lowered;
	s3 =	sadd.s32 s3, s5;
	[dreg:$0x0] =	wrdreg $0x0  }
0x20: {  	s5 =	sshll.u32 s28, $0x1;
	[dreg:$0x2] =	wrdreg s3  }
0x21: {  	[dreg:$0x3] =	wrdreg s5  }
0x22: {  	[dreg:$0x4] =	wrdreg $0xC0  }
0x23: {  	_ =	task [dreg:s7], $0x5FFFF  }
0x24: {  	[dreg:$0x1] =	wrdreg $0xFFFFFFFF  }
0x25: {  	[dreg:$0x0] =	wrdreg $0x60  }
0x26: {  	[dreg:$0x2] =	wrdreg s25  }
0x27: {  	[dreg:$0x3] =	wrdreg s2  }
0x28: {  	[dreg:$0x4] =	wrdreg $0x9  }
0x29: {  	_ =	task.clear_ibuf [dreg:s7], $0x5FFFF;
	_ =	strace $0x90000049  }
0x2a: {  	s29 =	simm.s32 $0x9;
	_ =	strace $0x8000004B  }
0x2b: {  	_ =	swait.ge [sflag:s29], $0x1  }
0x2c: {  	[sflag:s29] =	ssyncadd.s32 $0xFFFFFFFF  }
0x2d: {  	_ =	strace $0x9000004B  }
0x2e: {  	_ =	sfence  }
0x2f: {  	s30 =	sld [smem:$0x0];
	_ =	sdelay $0x2  }
0x30: {  	s31 =	sshll.u32 s1, $0xD;
	s1 =	sshrl.u32 s1, $0x2  }
0x31: {  	s3 =	sand.u32 $0x4000, s31;
	s1 =	sadd.s32 s1, s30  }
0x32: {  	s0 =	sor.u32 s3, s0;
	s1 =	sshll.u32 s1, $0x11  }
0x33: {  	s0 =	sor.u32 s1, s0  }
0x34: {  	s0 =	sadd.s32 $0x8F2B, s0  }
0x35: {  	[sflag:s0] =	ssyncadd.remote.s32 $0x1  }
0x36: {  	_ =	sfence.sel $0xFFFF  }
0x37: {  	[dreg:$0x0] =	wrdreg $0xFFFFFFFF;
	(pc) =	sbr.abs _section_cstart, $3  }
0x38: {  	[dreg:$0x1] =	wrdreg $0xFFFFFFFF  }
0x39: {  	_ =	task.clear_ibuf [dreg:s7], $0x2FFFF;
	_ =	strace $0x9FFFFFFF  }
0x3a: {  	(tm) =	ssettm $0x7FFFFFFF  }
0x3b: {  	_ =	shalt  }
tec
execute0_lowered:
.L_overlay_start_1:
0x0: {  	(tag) =	ssettag $0x1  }
0x1: {  	s0 =	stileid.u32;
	s6 =	rddreg [dreg:$0x0]  }
0x2: {  	s2 =	rddreg [dreg:$0x1];
	s5 =	srdreg.scid  }
0x3: {  	s31 =	simm.s32 $0x2;
	s13 =	simm.s32 $0x0;
	s1 =	sshll.u32 s0, $0x7  }
0x4: {  	s14 =	simm.s32 $0x0;
	s12 =	simm.s32 $0x0;
	s3 =	sand.u32 $0x380, s1  }
0x5: {  	s5 =	sshll.u32 s5, $0x4;
	s6 =	sadd.s32 $0xC00, s6;
	s4 =	ssub.s32 $0x400, s3  }
0x6: {  	s1 =	rddreg [dreg:$0x2];
	_ =	strace $0x8000004A;
	s7 =	sand.u32 $0x380, s4  }
0x7: {  	s5 =	sand.u32 $0x10, s5;
	p0 =	sne.s32 s7, $0x0;
	s7 =	simm.s32 $0x1  }
.Ltmp0:
0x8: {  	s8 =	sshrl.u32 s4, $0xA;
	s7 =	simm.s32 @!p0 $0x0;
	(pc) =	sbr.rel .LBB1_1-.Ltmp0, $4  }
0x9: {  	s9 =	sor.u32 s0, s5;
	s4 =	simm.s32 $0x1;
	s30 =	sadd.s32 s7, s8  }
0xa: {  	s11 =	smov.u32 s3;
	[sflag:s4] =	ssyncpa.u1 $0x0;
	s5 =	smul.u32 $0x32, s30  }
0xb: {  	[sflag:s31] =	ssyncpa.u1 $0x0;
	p0 =	por $0x0, $0x0;
	s7 =	sshrl.u32 s9, $0x3  }
0xc: {  	s9 =	simm.s32 $0x2000;
	s10 =	smov.u32 s7;
	s8 =	sor.u32 $0x1, s5  }
.LBB1_4:
0xd: {  	s17 =	sand.u32 $0x1F80, s14;
	s13 =	sshll.u32 s13, $0xD  }
0xe: {  	[tilespmem:s16+$0x810 ss:$0x81] =	vst.msk $0xffff, v2;
	s18 =	sshrl.u32 s14, $0x3;
	s31 =	sand.u32 $0x7, s14;
	s17 =	sadd.s32 s2, s17  }
0xf: {  	[tilespmem:s16+$0x1020 ss:$0x81] =	vst.msk $0xffff, v0;
	s18 =	sand.u32 $0xF, s18;
	s14 =	sshll.u32 s31, $0x12;
	s13 =	sadd.s32 s13, s17  }
0x10: {  	[tilespmem:s16+$0x0 ss:$0x81] =	vst.msk $0xffff, v1;
	s14 =	sor.u32 $0x400, s14;
	s13 =	sadd.s32 s18, s13  }
0x11: {  	[hbm4b:s13+s14] =	stream.strided.scatter [tilespmem:s15], [sflag:$0x2], $0x2000, s9, s14, $0x20;
	[tilespmem:$0x8080] =	vst v63  }
.LBB1_5:
0x12: {  	s15 =	sadd.s32 $0x4, s10  }
0x13: {  	s13 =	sadd.s32 $0x400, s11;
	s17 =	smov.u32 s11;
	p2 =	sgt.s32 s15, $0xC7  }
0x14: {  	s17 =	smov.u32 @p2 s13  }
0x15: {  	s15 =	smov.u32 @p2 s7;
	p2 =	sgt.s32 s17, $0x3FF  }
0x16: {  	s17 =	smov.u32 @p2 s3;
	p2 =	sne.s32 s12, s8  }
.Ltmp1:
0x17: {  	p1 =	slt.u32 s12, $0x2;
	(pc) =	sbr.rel @!p2 .LBB1_6-.Ltmp1, $4  }
0x18: {  	s16 =	simm.s32 @!p1 $0x2  }
0x19: {  	s14 =	smov.u32 s11;
	p0 =	por !p0, !p0;
	_ =	swait.ge @!p1 [sflag:s16], $0x2000  }
0x1a: {  	s13 =	smov.u32 s10;
	[sflag:s16] =	ssyncset.done @!p1 $0x0;
	s10 =	smov.u32 s15  }
0x1b: {  	s12 =	sadd.s32 $0x1, s12;
	[sflag:s16] =	ssyncadd.s32 @!p1 $0xFFFFE000;
	s11 =	smov.u32 s17  }
.LBB1_1:
0x1c: {  	p1 =	sge.u32 s12, s5  }
0x1d: {  	s15 =	sand.u32 @!p1 $0x1FFFFFF, s10  }
0x1e: {  	s16 =	smulhi.u32 @!p1 $0x147AE15, s15;
	_ =	sdelay $0x1  }
0x1f: {  	s16 =	smul.u32 @!p1 $0xC8, s16  }
0x20: {  	s17 =	sxor.u32 @!p1 $0xFFFFFFFF, s12;
	s18 =	smul.u32 @!p1 $0xC80, s11  }
0x21: {  	s31 =	sadd.s32 $0xFFFFFFFF, s12;
	s17 =	sshll.u32 @!p1 s17, $0xD;
	s15 =	ssub.s32 @!p1 s15, s16  }
0x22: {  	s16 =	sand.u32 @!p1 $0x2000, s17;
	s17 =	sadd.s32 @!p1 s6, s18;
	s15 =	sshll.u32 @!p1 s15, $0x4  }
0x23: {  	s18 =	simm.s32 @!p1 $0x6400;
	s15 =	sadd.s32 @!p1 s15, s17;
	s17 =	simm.s32 @!p1 $0x40  }
0x24: {  	[tilespmem:s16], [sflag:$0x1] =	stream.strided.gather @!p1 [hbm4b:s15+s17], $0x2000, s18, s17, $0x38;
	[tilespmem:$0x8080] =	vst v63  }
0x25: {  	p1 =	sge.u32 s31, s5  }
.Ltmp2:
0x26: {  	_ = 	snop;
	(pc) =	sbr.rel @p1 .LBB1_5-.Ltmp2, $1  }
0x27: {  	_ =	sdelay $0x3  }
0x28: {  	s15 =	simm.s32 $0x1  }
0x29: {  	_ =	swait.ge [sflag:s4], $0x2000;
	s15 =	simm.s32 @!p0 $0x0  }
0x2a: {  	[sflag:s4] =	ssyncset.done $0x0;
	s16 =	sshll.u32 s15, $0xD  }
0x2b: {  	[sflag:s4] =	ssyncadd.s32 $0xFFFFE000;
	s19 =	sor.u32 $0x20, s16  }
0x2c: {  	s15 =	smul.u32 $0x8100, s15;
	v3 =	vld [tilespmem:s19+$0x10]  }
0x2d: {  	s30 =	sand.u32 $0x1, s12;
	v2 =	vld [tilespmem:s19+$0xFFFFFFF0]  }
0x2e: {  	s16 =	smul.u32 $0x8100, s30;
	s15 =	sshrl.u32 s15, $0x2;
	v0 =	vld [tilespmem:s19+$0x0]  }
0x2f: {  	v1 =	vld [tilespmem:s19+$0xFFFFFFE0];
	s17 =	sor.u32 $0x4000, s15  }
0x30: {  	s31 =	sshrl.u32 s16, $0x2;
	s16 =	sadd.s32 $0x0, s17  }
0x31: {  	s18 =	simm.s32 $0x4;
	s19 =	sadd.s32 $0x40, s19;
	s15 =	sor.u32 $0x4000, s31;
	[tilespmem:s16+$0x1830 ss:$0x81] =	vst.msk $0xffff, v3  }
.LBB1_3:
0x32: {  	v3 =	vld [tilespmem:s19+$0x10];
	p1 =	sne.s32 s18, $0x1FC;
	[tilespmem:s16+$0x810 ss:$0x81] =	vst.msk $0xffff, v2;
	s20 =	smov.u32 s18;
	s18 =	sadd.s32 $0x4, s18  }
.Ltmp3:
0x33: {  	v2 =	vld [tilespmem:s19+$0xFFFFFFF0];
	[tilespmem:s16+$0x1020 ss:$0x81] =	vst.msk $0xffff, v0;
	(pc) =	sbr.rel @p1 .LBB1_3-.Ltmp3, $4  }
0x34: {  	v0 =	vld [tilespmem:s19+$0x0];
	[tilespmem:s16+$0x0 ss:$0x81] =	vst.msk $0xffff, v1  }
0x35: {  	s16 =	sshra.s32 s20, $0x2;
	v1 =	vld [tilespmem:s19+$0xFFFFFFE0]  }
0x36: {  	s16 =	sadd.s32 s16, s17  }
0x37: {  	s19 =	sadd.s32 $0x40, s19;
	[tilespmem:s16+$0x1830 ss:$0x81] =	vst.msk $0xffff, v3  }
.Ltmp4:
0x38: {  	_ = 	snop;
	(pc) =	sbr.rel .LBB1_4-.Ltmp4, $1  }
0x39: {  	_ =	sdelay $0x3  }
.LBB1_6:
0x3a: {  	_ =	sfence.sel $0x180000  }
0x3b: {  	s2 =	simm.s32 $0x1;
	[bflag:$0x0] =	sbarrier.arrive $0xFFFF  }
0x3c: {  	s31 =	simm.s32 $0x2;
	[sflag:s2] =	ssyncpa.u1 $0x1  }
0x3d: {  	[sflag:s31] =	ssyncpa.u1 $0x1  }
0x3e: {  	p0 =	sne.s32 s0, $0x0;
	_ =	strace $0x9000004A  }
0x3f: {  	s0 =	sadd.s32 @!p0 $0x100000, s1;
	[bflag:$0x2] =	sbarrier.arrive $0xFFFF  }
0x40: {  	[sflag:s0] =	ssyncadd.tile.s32 @!p0 $0x1;
	_ =	shalt  }
.Lfunc_end1:
_tile_overlayer_lowered:
.L_overlay_start_2:
0x41: {  	(tag) =	ssettag $0x2  }
0x42: {  	s0 =	rddreg [dreg:$0x0];
	s2 =	stileid.u32  }
0x43: {  	s1 =	rddreg [dreg:$0x1];
	p0 =	sne.s32 s2, $0x0  }
0x44: {  	s3 =	rddreg [dreg:$0x2];
	[bflag:$0x3] =	sbarrier.arrive $0xFFFF;
	s2 =	simm.s32 @!p0 $0x1C01  }
0x45: {  	[timem:s3], [sflag:s2] =	dma.local @!p0 [hbm:s0], s1  }
0x46: {  	s0 =	simm.s32 @!p0 $0x1  }
0x47: {  	_ =	swait.ge @!p0 [sflag:s0], s1  }
0x48: {  	s1 =	ssub.s32 @!p0 $0x0, s1;
	[sflag:s0] =	ssyncset.done @!p0 $0x0  }
0x49: {  	[sflag:s0] =	ssyncadd.s32 @!p0 s1  }
0x4a: {  	[bflag:$0x3] =	sbarrier.arrive $0xFFFF  }
0x4b: {  	_ =	shalt  }

</sc_bundles>
